<compile_context>
chip_gen: v7x
topology: tpu7x:2x2x1
jax: 0.10.2.dev20260603
libtpu: 0.0.44.dev20260713+nightly
codegen_flags: <defaults>
</compile_context>

<pallas_src>
import functools

import jax
import jax.numpy as jnp
from jax import lax
from jax.experimental import pallas as pl
from jax.experimental.pallas import tpu as pltpu
from jax.experimental.pallas import tpu_sc as plsc

M, D, KD, B, Q = 100000, 128, 64, 1024, 1024
K = 16
TILE = 2048
NCOL = M + B
NTILES = (NCOL + TILE - 1) // TILE
PCOL = NTILES * TILE
G = 16
NG = PCOL // G
GPT = TILE // G
NCAND = K * G
AUG = 128
NPAIRS = K // 2
PROWS = NCAND // 2
NEG = -1e30
NEG_INIT = -3e38

SC_NC, SC_NS = 2, 16
SC_NW = SC_NC * SC_NS

QBLK = 64


def _stage_a_body(q_ref, k_ref, w_ref, b_ref, gm_ref):
    s = lax.dot_general(q_ref[...], k_ref[...], (((1,), (1,)), ((), ())),
                        precision=lax.Precision.DEFAULT)
    s = s * w_ref[0, 0, :][None, :] + b_ref[0, 0, :][None, :]
    gm = s[:, 0:GPT]
    for j in range(1, G):
        gm = jnp.maximum(gm, s[:, j * GPT:(j + 1) * GPT])
    gm_ref[...] = gm


def _stage_a_call(query_keys, keys_ext, wcol3, bias3):
    return pl.pallas_call(
        _stage_a_body,
        grid=(NTILES,),
        in_specs=[
            pl.BlockSpec((Q, KD), lambda t: (0, 0)),
            pl.BlockSpec((TILE, KD), lambda t: (t, 0)),
            pl.BlockSpec((1, 1, TILE), lambda t: (t, 0, 0)),
            pl.BlockSpec((1, 1, TILE), lambda t: (t, 0, 0)),
        ],
        out_specs=pl.BlockSpec((Q, GPT), lambda t: (0, t)),
        out_shape=jax.ShapeDtypeStruct((Q, NG), jnp.float32),
    )(query_keys, keys_ext, wcol3, bias3)


def _stage_b_body(gm_ref, cand_ref, pair_ref):
    gmall = gm_ref[...]
    gid = lax.broadcasted_iota(jnp.int32, (QBLK, NG), 1)
    sels = []
    for _ in range(K):
        m = jnp.max(gmall, axis=1, keepdims=True)
        am = jnp.min(jnp.where(gmall == m, gid, NG), axis=1, keepdims=True)
        gmall = jnp.where(gid == am, NEG_INIT, gmall)
        sels.append(am)
    gsel = jnp.concatenate(sels, axis=1)
    tb = (gsel // GPT) * TILE + (gsel % GPT)
    ei = lax.broadcasted_iota(jnp.int32, (QBLK, 2, K, NPAIRS), 1)
    ji = lax.broadcasted_iota(jnp.int32, (QBLK, 2, K, NPAIRS), 3)
    cand_ref[...] = tb[:, None, :, None] + (2 * ji + ei) * GPT
    pb = (gsel // GPT) * (TILE // 2) + (gsel % GPT)
    pair_ref[...] = pb[:, :, None] + ji[:, 0, :, :] * GPT


def _stage_b_call(gm):
    return pl.pallas_call(
        _stage_b_body,
        grid=(Q // QBLK,),
        in_specs=[pl.BlockSpec((QBLK, NG), lambda i: (i, 0))],
        out_specs=[
            pl.BlockSpec((QBLK, 2, K, NPAIRS), lambda i: (i, 0, 0, 0)),
            pl.BlockSpec((QBLK, K, NPAIRS), lambda i: (i, 0, 0)),
        ],
        out_shape=[
            jax.ShapeDtypeStruct((Q, 2, K, NPAIRS), jnp.int32),
            jax.ShapeDtypeStruct((Q, K, NPAIRS), jnp.int32),
        ],
    )(gm)


def _sc_gather(table, idx_flat, nrows, width, chunk):
    mesh = plsc.VectorSubcoreMesh(core_axis_name="c", subcore_axis_name="s")
    per_w = nrows // SC_NW
    nchunk = per_w // chunk

    @functools.partial(
        pl.kernel, mesh=mesh,
        out_type=jax.ShapeDtypeStruct((nrows, width), jnp.float32),
        scratch_types=[
            pltpu.VMEM((chunk,), jnp.int32),
            pltpu.VMEM((chunk, width), jnp.float32),
            pltpu.SemaphoreType.DMA,
        ],
    )
    def k(table_hbm, idx_hbm, out_hbm, idx_v, rows_v, sem):
        wid = lax.axis_index("s") * SC_NC + lax.axis_index("c")
        for cc in range(nchunk):
            base = wid * per_w + cc * chunk
            pltpu.sync_copy(idx_hbm.at[pl.ds(base, chunk)], idx_v)
            pltpu.async_copy(table_hbm.at[idx_v], rows_v, sem).wait()
            pltpu.sync_copy(rows_v, out_hbm.at[pl.ds(base, chunk)])

    return k(table, idx_flat)


def _sc_gather_elems(table, idx_flat, nelem):
    mesh = plsc.VectorSubcoreMesh(core_axis_name="c", subcore_axis_name="s")
    per_w = nelem // SC_NW

    @functools.partial(
        pl.kernel, mesh=mesh,
        out_type=jax.ShapeDtypeStruct((nelem,), jnp.float32),
        scratch_types=[
            pltpu.VMEM((per_w,), jnp.int32),
            pltpu.VMEM((per_w,), jnp.float32),
            pltpu.SemaphoreType.DMA,
        ],
    )
    def k(table_hbm, idx_hbm, out_hbm, idx_v, out_v, sem):
        wid = lax.axis_index("s") * SC_NC + lax.axis_index("c")
        base = wid * per_w
        pltpu.sync_copy(idx_hbm.at[pl.ds(base, per_w)], idx_v)
        pltpu.async_copy(table_hbm.at[idx_v], out_v, sem).wait()
        pltpu.sync_copy(out_v, out_hbm.at[pl.ds(base, per_w)])

    return k(table, idx_flat)


def _stage_d_body(rows_ref, wc_ref, q_ref, cand_ref, attn_ref, idx_ref):
    rows = rows_ref[...]
    qv = q_ref[...]
    qi = lax.broadcasted_iota(jnp.int32, (QBLK, QBLK, PROWS), 0)
    oi = lax.broadcasted_iota(jnp.int32, (QBLK, QBLK, PROWS), 1)
    halves = []
    for e in range(2):
        kc = rows[:, e * KD:(e + 1) * KD]
        s_all = lax.dot_general(qv, kc, (((1,), (1,)), ((), ())),
                                precision=lax.Precision.DEFAULT)
        s3 = s_all.reshape(QBLK, QBLK, PROWS)
        halves.append(jnp.sum(jnp.where(qi == oi, s3, 0.0), axis=1))
    s = jnp.concatenate(halves, axis=1)

    w = wc_ref[...]
    s = s * w + jnp.where(w == 0.0, NEG, 0.0)

    cand = cand_ref[...]
    sid = lax.broadcasted_iota(jnp.int32, (QBLK, NCAND), 1)
    vs, gs = [], []
    for _ in range(K):
        m = jnp.max(s, axis=1, keepdims=True)
        am = jnp.min(jnp.where(s == m, sid, NCAND), axis=1, keepdims=True)
        gi = jnp.max(jnp.where(sid == am, cand, -1), axis=1, keepdims=True)
        s = jnp.where(sid == am, NEG_INIT, s)
        vs.append(m)
        gs.append(gi)
    vals = jnp.concatenate(vs, axis=1)
    mm = jnp.max(vals, axis=1, keepdims=True)
    e = jnp.exp(vals - mm)
    attn_ref[...] = e / jnp.sum(e, axis=1, keepdims=True)
    idx_ref[...] = jnp.concatenate(gs, axis=1)



def _stage_d_call(rows, w_cand, query_keys, cand_idx):
    nblk = Q // QBLK
    return pl.pallas_call(
        _stage_d_body,
        grid=(nblk,),
        in_specs=[
            pl.BlockSpec((QBLK * PROWS, AUG), lambda i: (i, 0)),
            pl.BlockSpec((QBLK, NCAND), lambda i: (i, 0)),
            pl.BlockSpec((QBLK, KD), lambda i: (i, 0)),
            pl.BlockSpec((QBLK, NCAND), lambda i: (i, 0)),
        ],
        out_specs=[
            pl.BlockSpec((QBLK, K), lambda i: (i, 0)),
            pl.BlockSpec((QBLK, K), lambda i: (i, 0)),
        ],
        out_shape=[
            jax.ShapeDtypeStruct((Q, K), jnp.float32),
            jax.ShapeDtypeStruct((Q, K), jnp.int32),
        ],
    )(rows, w_cand, query_keys, cand_idx)


def _wsum_body(rows_ref, attn_ref, out_ref):
    attn = attn_ref[...]
    acc = attn[:, 0:1] * rows_ref[pl.ds(0, Q), :]
    for kk in range(1, K):
        acc = acc + attn[:, kk:kk + 1] * rows_ref[pl.ds(kk * Q, Q), :]
    out_ref[...] = acc


def _wsum_call(rows, attn):
    return pl.pallas_call(
        _wsum_body,
        out_shape=jax.ShapeDtypeStruct((Q, D), jnp.float32),
    )(rows, attn)


def kernel(memory_bank, temporal_keys, access_counts, last_updated,
           attention_weights, new_patterns, new_keys, query_keys,
           current_time, num_retrievals):
    ct = current_time[0]
    decay = jnp.exp(-(ct - last_updated) * 0.1)
    ti = 0.4 * decay + 0.3 * jnp.log1p(access_counts) + 0.3 * attention_weights
    _, repl_idx = lax.top_k(-ti, B)
    repl_mask = jnp.zeros((M,), jnp.float32).at[repl_idx].set(1.0)
    c_new = 0.4 + 0.3 * jnp.log1p(1.0) + 0.3

    wcol = jnp.concatenate([ti, jnp.full((B,), c_new, jnp.float32)])
    bias = jnp.concatenate([repl_mask * NEG, jnp.zeros((B,), jnp.float32)])
    pad = PCOL - NCOL
    wcol = jnp.pad(wcol, (0, pad))
    bias = jnp.pad(bias, (0, pad), constant_values=NEG)
    keys_ext = jnp.pad(jnp.concatenate([temporal_keys, new_keys], axis=0),
                       ((0, pad), (0, 0)))

    gm = _stage_a_call(query_keys, keys_ext,
                       wcol.reshape(NTILES, 1, TILE),
                       bias.reshape(NTILES, 1, TILE))
    cand, pair = _stage_b_call(gm)
    cand_idx = cand.reshape(Q, NCAND)

    ktab2 = jnp.transpose(
        keys_ext.reshape(NTILES, NPAIRS, 2, GPT, KD),
        (0, 1, 3, 2, 4)).reshape(PCOL // 2, 2 * KD)
    crows = _sc_gather(ktab2, pair.reshape(-1), Q * PROWS, AUG, 512)

    wm = jnp.where(bias < 0.0, 0.0, wcol)
    w_cand = _sc_gather_elems(wm, cand_idx.reshape(-1),
                              Q * NCAND).reshape(Q, NCAND)

    attn, idx16 = _stage_d_call(crows, w_cand, query_keys, cand_idx)

    bank_ext = jnp.concatenate([memory_bank, new_patterns], axis=0)
    idx_flat = idx16.T.reshape(-1)
    rows = _sc_gather(bank_ext, idx_flat, Q * K, D, 512)
    out = _wsum_call(rows, attn)
    del num_retrievals
    return out

# --- scband reference (transcript-rebuilt; emitter-appended) ---
"""Pipeline reference for scband-hierarchical-temporal-graph-attention-86577950753237 (READ-ONLY COPY).

The authoritative reference and input builder live on the scoring server;
editing this copy changes nothing except your own understanding.
"""

import jax, jax.numpy as jnp
import numpy as np

M, D, KD, B, Q = 100000, 128, 64, 1024, 1024


def setup_inputs(seed: int = 0) -> dict:
    key = jax.random.key(seed)
    ks = jax.random.split(key, 9)
    return {
        "memory_bank": jax.random.normal(ks[0], (M, D), dtype=jnp.float32),
        "temporal_keys": jax.random.normal(ks[1], (M, KD), dtype=jnp.float32),
        "access_counts": jax.random.uniform(ks[2], (M,), dtype=jnp.float32),
        "last_updated": jax.random.uniform(ks[3], (M,), dtype=jnp.float32),
        "attention_weights": jax.random.uniform(ks[4], (M,), dtype=jnp.float32),
        "new_patterns": jax.random.normal(ks[5], (B, D), dtype=jnp.float32),
        "new_keys": jax.random.normal(ks[6], (B, KD), dtype=jnp.float32),
        "query_keys": jax.random.normal(ks[7], (Q, KD), dtype=jnp.float32),
        "current_time": jnp.ones((1,), dtype=jnp.float32),
        "num_retrievals": 16,
    }


def _temporal_importance(current_time, last_updated, access_counts, attention_weights):
    time_since_update = current_time - last_updated
    temporal_decay = jnp.exp(-time_since_update * 0.1)
    access_importance = jnp.log1p(access_counts)
    return 0.4 * temporal_decay + 0.3 * access_importance + 0.3 * attention_weights


def reference(memory_bank, temporal_keys, access_counts, last_updated,
              attention_weights, new_patterns, new_keys, query_keys,
              current_time, num_retrievals):
    ct = current_time[0]
    batch_size = new_patterns.shape[0]
    importance_scores = jnp.ones((batch_size,), dtype=jnp.float32)
    # --- write_memory: importance-based replacement (scatter overwrite) ---
    current_importance = _temporal_importance(ct, last_updated, access_counts, attention_weights)
    replacement_indices = jnp.argsort(current_importance)[:batch_size]
    new_memory_bank = memory_bank.at[replacement_indices].set(new_patterns)
    new_temporal_keys = temporal_keys.at[replacement_indices].set(new_keys)
    new_access_counts = access_counts.at[replacement_indices].set(1.0)
    new_last_updated = last_updated.at[replacement_indices].set(ct)
    new_attention_weights = attention_weights.at[replacement_indices].set(importance_scores)
    # --- read_memory: similarity * temporal importance, top-k gather ---
    similarities = jnp.dot(query_keys, new_temporal_keys.T)
    temporal_importance = _temporal_importance(ct, new_last_updated, new_access_counts, new_attention_weights)
    weighted_similarities = similarities * temporal_importance[None, :]
    k_static = 16
    top_vals, top_indices = jax.lax.top_k(weighted_similarities, k_static)
    retrieved_patterns = new_memory_bank[top_indices]  # [Q, K, D] gather
    attn = jax.nn.softmax(top_vals, axis=-1)           # [Q, K]
    retrieved = jnp.sum(attn[..., None] * retrieved_patterns, axis=1)  # [Q, D]
    nr = jnp.asarray(num_retrievals)
    retrieved = retrieved + (nr - nr).astype(retrieved.dtype)
    return retrieved


if False:  # reference __main__ guard neutralized (emitter)
    out = reference(**setup_inputs())
    print(out.shape, out.dtype)

if __name__ == "__main__":
    import jax
    _d = setup_inputs()
    print(jax.jit(kernel)(*tuple(_d.values())))

</pallas_src>

<mosaic_0001>
#map = affine_map<(d0, d1) -> (0, 0)>
#map1 = affine_map<(d0, d1) -> (0)>
module attributes {stable_mosaic.version = 14 : i64} {
  func.func @k(%arg0: i32, %arg1: i32, %arg2: memref<51200x128xf32, #tpu.memory_space<hbm>>, %arg3: memref<131072xi32, #tpu.memory_space<hbm>>, %arg4: memref<131072x128xf32, #tpu.memory_space<hbm>>, %arg5: memref<512xi32, #tpu.memory_space<vmem>>, %arg6: memref<512x128xf32, #tpu.memory_space<vmem>>, %arg7: memref<!tpu.dma_semaphore, #tpu.memory_space<semaphore_mem>>) attributes {dimension_semantics = [#tpu.dimension_semantics<core_parallel>, #tpu.dimension_semantics<subcore_parallel>], iteration_bounds = array<i64: 2, 16>, scalar_prefetch = 0 : i64, scratch_operands = 3 : i64, tpu.core_type = #tpu.core_type<sc_vector_subcore>, window_params = [{transform_indices = #map}, {transform_indices = #map1}, {transform_indices = #map}]} {
    %mul3A = arith.constant 2 : i32
    %mul3A_0 = arith.muli %arg1, %mul3A : i32
    %add3A = arith.addi %mul3A_0, %arg0 : i32
    %mul3A_1 = arith.constant 4096 : i32
    %mul3A_2 = arith.muli %add3A, %mul3A_1 : i32
    %add3A_3 = arith.constant 0 : i32
    %add3A_4 = arith.addi %mul3A_2, %add3A_3 : i32
    "tpu.region"() ({
      %run_scoped3A = tpu.sem_alloc : memref<!tpu.dma_semaphore, #tpu.memory_space<semaphore_mem>>
      %dma_start3A_79 = tpu.memref_slice %arg3[%add3A_4] : memref<131072xi32, #tpu.memory_space<hbm>> -> memref<512xi32, #tpu.memory_space<hbm>>
      %dma_start3A_80 = tpu.memref_slice %arg3[%add3A_4] : memref<131072xi32, #tpu.memory_space<hbm>> -> memref<512xi32, #tpu.memory_space<hbm>>
      tpu.enqueue_dma source(%dma_start3A_80 : memref<512xi32, #tpu.memory_space<hbm>>) target(%arg5 : memref<512xi32, #tpu.memory_space<vmem>>) target_semaphore(%run_scoped3A : memref<!tpu.dma_semaphore, #tpu.memory_space<semaphore_mem>>)
      %dma_wait3A_81 = tpu.memref_slice %arg3[%add3A_4] : memref<131072xi32, #tpu.memory_space<hbm>> -> memref<512xi32, #tpu.memory_space<hbm>>
      %dma_wait3A_82 = tpu.memref_slice %arg3[%add3A_4] : memref<131072xi32, #tpu.memory_space<hbm>> -> memref<512xi32, #tpu.memory_space<hbm>>
      tpu.wait_dma2 semaphore(%run_scoped3A : memref<!tpu.dma_semaphore, #tpu.memory_space<semaphore_mem>>) src(%dma_wait3A_82 : memref<512xi32, #tpu.memory_space<hbm>>) dst(%arg5 : memref<512xi32, #tpu.memory_space<vmem>>)
      tpu.yield
    }) : () -> ()
    %dma_start3A = arith.constant 0 : i32
    %dma_start3A_5 = arith.constant 0 : i32
    %dma_start3A_6 = tpu.memref_slice %arg2[%dma_start3A, %dma_start3A_5] : memref<51200x128xf32, #tpu.memory_space<hbm>> -> memref<51200x128xf32, #tpu.memory_space<hbm>>
    tpu.enqueue_indirect_dma source(%dma_start3A_6 : memref<51200x128xf32, #tpu.memory_space<hbm>>) target(%arg6 : memref<512x128xf32, #tpu.memory_space<vmem>>) offsets(%arg5 : memref<512xi32, #tpu.memory_space<vmem>>) semaphore(%arg7 : memref<!tpu.dma_semaphore, #tpu.memory_space<semaphore_mem>>)
    %dma_wait3A = arith.constant 0 : i32
    %dma_wait3A_7 = arith.constant 0 : i32
    %dma_wait3A_8 = tpu.memref_slice %arg2[%dma_wait3A, %dma_wait3A_7] : memref<51200x128xf32, #tpu.memory_space<hbm>> -> memref<51200x128xf32, #tpu.memory_space<hbm>>
    tpu.wait_indirect_dma semaphore(%arg7 : memref<!tpu.dma_semaphore, #tpu.memory_space<semaphore_mem>>) src(%dma_wait3A_8 : memref<51200x128xf32, #tpu.memory_space<hbm>>) dst(%arg6 : memref<512x128xf32, #tpu.memory_space<vmem>>)
    "tpu.region"() ({
      %run_scoped3A = tpu.sem_alloc : memref<!tpu.dma_semaphore, #tpu.memory_space<semaphore_mem>>
      %dma_start3A_79 = arith.constant 0 : i32
      %dma_start3A_80 = tpu.memref_slice %arg4[%add3A_4, %dma_start3A_79] : memref<131072x128xf32, #tpu.memory_space<hbm>> -> memref<512x128xf32, #tpu.memory_space<hbm>>
      %dma_start3A_81 = arith.constant 0 : i32
      %dma_start3A_82 = tpu.memref_slice %arg4[%add3A_4, %dma_start3A_81] : memref<131072x128xf32, #tpu.memory_space<hbm>> -> memref<512x128xf32, #tpu.memory_space<hbm>>
      tpu.enqueue_dma source(%arg6 : memref<512x128xf32, #tpu.memory_space<vmem>>) target(%dma_start3A_82 : memref<512x128xf32, #tpu.memory_space<hbm>>) target_semaphore(%run_scoped3A : memref<!tpu.dma_semaphore, #tpu.memory_space<semaphore_mem>>)
      %dma_wait3A_83 = arith.constant 0 : i32
      %dma_wait3A_84 = tpu.memref_slice %arg4[%add3A_4, %dma_wait3A_83] : memref<131072x128xf32, #tpu.memory_space<hbm>> -> memref<512x128xf32, #tpu.memory_space<hbm>>
      %dma_wait3A_85 = arith.constant 0 : i32
      %dma_wait3A_86 = tpu.memref_slice %arg4[%add3A_4, %dma_wait3A_85] : memref<131072x128xf32, #tpu.memory_space<hbm>> -> memref<512x128xf32, #tpu.memory_space<hbm>>
      tpu.wait_dma2 semaphore(%run_scoped3A : memref<!tpu.dma_semaphore, #tpu.memory_space<semaphore_mem>>) src(%arg6 : memref<512x128xf32, #tpu.memory_space<vmem>>) dst(%dma_wait3A_86 : memref<512x128xf32, #tpu.memory_space<hbm>>)
      tpu.yield
    }) : () -> ()
    %mul3A_9 = arith.constant 4096 : i32
    %mul3A_10 = arith.muli %add3A, %mul3A_9 : i32
    %add3A_11 = arith.constant 512 : i32
    %add3A_12 = arith.addi %mul3A_10, %add3A_11 : i32
    "tpu.region"() ({
      %run_scoped3A = tpu.sem_alloc : memref<!tpu.dma_semaphore, #tpu.memory_space<semaphore_mem>>
      %dma_start3A_79 = tpu.memref_slice %arg3[%add3A_12] : memref<131072xi32, #tpu.memory_space<hbm>> -> memref<512xi32, #tpu.memory_space<hbm>>
      %dma_start3A_80 = tpu.memref_slice %arg3[%add3A_12] : memref<131072xi32, #tpu.memory_space<hbm>> -> memref<512xi32, #tpu.memory_space<hbm>>
      tpu.enqueue_dma source(%dma_start3A_80 : memref<512xi32, #tpu.memory_space<hbm>>) target(%arg5 : memref<512xi32, #tpu.memory_space<vmem>>) target_semaphore(%run_scoped3A : memref<!tpu.dma_semaphore, #tpu.memory_space<semaphore_mem>>)
      %dma_wait3A_81 = tpu.memref_slice %arg3[%add3A_12] : memref<131072xi32, #tpu.memory_space<hbm>> -> memref<512xi32, #tpu.memory_space<hbm>>
      %dma_wait3A_82 = tpu.memref_slice %arg3[%add3A_12] : memref<131072xi32, #tpu.memory_space<hbm>> -> memref<512xi32, #tpu.memory_space<hbm>>
      tpu.wait_dma2 semaphore(%run_scoped3A : memref<!tpu.dma_semaphore, #tpu.memory_space<semaphore_mem>>) src(%dma_wait3A_82 : memref<512xi32, #tpu.memory_space<hbm>>) dst(%arg5 : memref<512xi32, #tpu.memory_space<vmem>>)
      tpu.yield
    }) : () -> ()
    %dma_start3A_13 = arith.constant 0 : i32
    %dma_start3A_14 = arith.constant 0 : i32
    %dma_start3A_15 = tpu.memref_slice %arg2[%dma_start3A_13, %dma_start3A_14] : memref<51200x128xf32, #tpu.memory_space<hbm>> -> memref<51200x128xf32, #tpu.memory_space<hbm>>
    tpu.enqueue_indirect_dma source(%dma_start3A_15 : memref<51200x128xf32, #tpu.memory_space<hbm>>) target(%arg6 : memref<512x128xf32, #tpu.memory_space<vmem>>) offsets(%arg5 : memref<512xi32, #tpu.memory_space<vmem>>) semaphore(%arg7 : memref<!tpu.dma_semaphore, #tpu.memory_space<semaphore_mem>>)
    %dma_wait3A_16 = arith.constant 0 : i32
    %dma_wait3A_17 = arith.constant 0 : i32
    %dma_wait3A_18 = tpu.memref_slice %arg2[%dma_wait3A_16, %dma_wait3A_17] : memref<51200x128xf32, #tpu.memory_space<hbm>> -> memref<51200x128xf32, #tpu.memory_space<hbm>>
    tpu.wait_indirect_dma semaphore(%arg7 : memref<!tpu.dma_semaphore, #tpu.memory_space<semaphore_mem>>) src(%dma_wait3A_18 : memref<51200x128xf32, #tpu.memory_space<hbm>>) dst(%arg6 : memref<512x128xf32, #tpu.memory_space<vmem>>)
    "tpu.region"() ({
      %run_scoped3A = tpu.sem_alloc : memref<!tpu.dma_semaphore, #tpu.memory_space<semaphore_mem>>
      %dma_start3A_79 = arith.constant 0 : i32
      %dma_start3A_80 = tpu.memref_slice %arg4[%add3A_12, %dma_start3A_79] : memref<131072x128xf32, #tpu.memory_space<hbm>> -> memref<512x128xf32, #tpu.memory_space<hbm>>
      %dma_start3A_81 = arith.constant 0 : i32
      %dma_start3A_82 = tpu.memref_slice %arg4[%add3A_12, %dma_start3A_81] : memref<131072x128xf32, #tpu.memory_space<hbm>> -> memref<512x128xf32, #tpu.memory_space<hbm>>
      tpu.enqueue_dma source(%arg6 : memref<512x128xf32, #tpu.memory_space<vmem>>) target(%dma_start3A_82 : memref<512x128xf32, #tpu.memory_space<hbm>>) target_semaphore(%run_scoped3A : memref<!tpu.dma_semaphore, #tpu.memory_space<semaphore_mem>>)
      %dma_wait3A_83 = arith.constant 0 : i32
      %dma_wait3A_84 = tpu.memref_slice %arg4[%add3A_12, %dma_wait3A_83] : memref<131072x128xf32, #tpu.memory_space<hbm>> -> memref<512x128xf32, #tpu.memory_space<hbm>>
      %dma_wait3A_85 = arith.constant 0 : i32
      %dma_wait3A_86 = tpu.memref_slice %arg4[%add3A_12, %dma_wait3A_85] : memref<131072x128xf32, #tpu.memory_space<hbm>> -> memref<512x128xf32, #tpu.memory_space<hbm>>
      tpu.wait_dma2 semaphore(%run_scoped3A : memref<!tpu.dma_semaphore, #tpu.memory_space<semaphore_mem>>) src(%arg6 : memref<512x128xf32, #tpu.memory_space<vmem>>) dst(%dma_wait3A_86 : memref<512x128xf32, #tpu.memory_space<hbm>>)
      tpu.yield
    }) : () -> ()
    %mul3A_19 = arith.constant 4096 : i32
    %mul3A_20 = arith.muli %add3A, %mul3A_19 : i32
    %add3A_21 = arith.constant 1024 : i32
    %add3A_22 = arith.addi %mul3A_20, %add3A_21 : i32
    "tpu.region"() ({
      %run_scoped3A = tpu.sem_alloc : memref<!tpu.dma_semaphore, #tpu.memory_space<semaphore_mem>>
      %dma_start3A_79 = tpu.memref_slice %arg3[%add3A_22] : memref<131072xi32, #tpu.memory_space<hbm>> -> memref<512xi32, #tpu.memory_space<hbm>>
      %dma_start3A_80 = tpu.memref_slice %arg3[%add3A_22] : memref<131072xi32, #tpu.memory_space<hbm>> -> memref<512xi32, #tpu.memory_space<hbm>>
      tpu.enqueue_dma source(%dma_start3A_80 : memref<512xi32, #tpu.memory_space<hbm>>) target(%arg5 : memref<512xi32, #tpu.memory_space<vmem>>) target_semaphore(%run_scoped3A : memref<!tpu.dma_semaphore, #tpu.memory_space<semaphore_mem>>)
      %dma_wait3A_81 = tpu.memref_slice %arg3[%add3A_22] : memref<131072xi32, #tpu.memory_space<hbm>> -> memref<512xi32, #tpu.memory_space<hbm>>
      %dma_wait3A_82 = tpu.memref_slice %arg3[%add3A_22] : memref<131072xi32, #tpu.memory_space<hbm>> -> memref<512xi32, #tpu.memory_space<hbm>>
      tpu.wait_dma2 semaphore(%run_scoped3A : memref<!tpu.dma_semaphore, #tpu.memory_space<semaphore_mem>>) src(%dma_wait3A_82 : memref<512xi32, #tpu.memory_space<hbm>>) dst(%arg5 : memref<512xi32, #tpu.memory_space<vmem>>)
      tpu.yield
    }) : () -> ()
    %dma_start3A_23 = arith.constant 0 : i32
    %dma_start3A_24 = arith.constant 0 : i32
    %dma_start3A_25 = tpu.memref_slice %arg2[%dma_start3A_23, %dma_start3A_24] : memref<51200x128xf32, #tpu.memory_space<hbm>> -> memref<51200x128xf32, #tpu.memory_space<hbm>>
    tpu.enqueue_indirect_dma source(%dma_start3A_25 : memref<51200x128xf32, #tpu.memory_space<hbm>>) target(%arg6 : memref<512x128xf32, #tpu.memory_space<vmem>>) offsets(%arg5 : memref<512xi32, #tpu.memory_space<vmem>>) semaphore(%arg7 : memref<!tpu.dma_semaphore, #tpu.memory_space<semaphore_mem>>)
    %dma_wait3A_26 = arith.constant 0 : i32
    %dma_wait3A_27 = arith.constant 0 : i32
    %dma_wait3A_28 = tpu.memref_slice %arg2[%dma_wait3A_26, %dma_wait3A_27] : memref<51200x128xf32, #tpu.memory_space<hbm>> -> memref<51200x128xf32, #tpu.memory_space<hbm>>
    tpu.wait_indirect_dma semaphore(%arg7 : memref<!tpu.dma_semaphore, #tpu.memory_space<semaphore_mem>>) src(%dma_wait3A_28 : memref<51200x128xf32, #tpu.memory_space<hbm>>) dst(%arg6 : memref<512x128xf32, #tpu.memory_space<vmem>>)
    "tpu.region"() ({
      %run_scoped3A = tpu.sem_alloc : memref<!tpu.dma_semaphore, #tpu.memory_space<semaphore_mem>>
      %dma_start3A_79 = arith.constant 0 : i32
      %dma_start3A_80 = tpu.memref_slice %arg4[%add3A_22, %dma_start3A_79] : memref<131072x128xf32, #tpu.memory_space<hbm>> -> memref<512x128xf32, #tpu.memory_space<hbm>>
      %dma_start3A_81 = arith.constant 0 : i32
      %dma_start3A_82 = tpu.memref_slice %arg4[%add3A_22, %dma_start3A_81] : memref<131072x128xf32, #tpu.memory_space<hbm>> -> memref<512x128xf32, #tpu.memory_space<hbm>>
      tpu.enqueue_dma source(%arg6 : memref<512x128xf32, #tpu.memory_space<vmem>>) target(%dma_start3A_82 : memref<512x128xf32, #tpu.memory_space<hbm>>) target_semaphore(%run_scoped3A : memref<!tpu.dma_semaphore, #tpu.memory_space<semaphore_mem>>)
      %dma_wait3A_83 = arith.constant 0 : i32
      %dma_wait3A_84 = tpu.memref_slice %arg4[%add3A_22, %dma_wait3A_83] : memref<131072x128xf32, #tpu.memory_space<hbm>> -> memref<512x128xf32, #tpu.memory_space<hbm>>
      %dma_wait3A_85 = arith.constant 0 : i32
      %dma_wait3A_86 = tpu.memref_slice %arg4[%add3A_22, %dma_wait3A_85] : memref<131072x128xf32, #tpu.memory_space<hbm>> -> memref<512x128xf32, #tpu.memory_space<hbm>>
      tpu.wait_dma2 semaphore(%run_scoped3A : memref<!tpu.dma_semaphore, #tpu.memory_space<semaphore_mem>>) src(%arg6 : memref<512x128xf32, #tpu.memory_space<vmem>>) dst(%dma_wait3A_86 : memref<512x128xf32, #tpu.memory_space<hbm>>)
      tpu.yield
    }) : () -> ()
    %mul3A_29 = arith.constant 4096 : i32
    %mul3A_30 = arith.muli %add3A, %mul3A_29 : i32
    %add3A_31 = arith.constant 1536 : i32
    %add3A_32 = arith.addi %mul3A_30, %add3A_31 : i32
    "tpu.region"() ({
      %run_scoped3A = tpu.sem_alloc : memref<!tpu.dma_semaphore, #tpu.memory_space<semaphore_mem>>
      %dma_start3A_79 = tpu.memref_slice %arg3[%add3A_32] : memref<131072xi32, #tpu.memory_space<hbm>> -> memref<512xi32, #tpu.memory_space<hbm>>
      %dma_start3A_80 = tpu.memref_slice %arg3[%add3A_32] : memref<131072xi32, #tpu.memory_space<hbm>> -> memref<512xi32, #tpu.memory_space<hbm>>
      tpu.enqueue_dma source(%dma_start3A_80 : memref<512xi32, #tpu.memory_space<hbm>>) target(%arg5 : memref<512xi32, #tpu.memory_space<vmem>>) target_semaphore(%run_scoped3A : memref<!tpu.dma_semaphore, #tpu.memory_space<semaphore_mem>>)
      %dma_wait3A_81 = tpu.memref_slice %arg3[%add3A_32] : memref<131072xi32, #tpu.memory_space<hbm>> -> memref<512xi32, #tpu.memory_space<hbm>>
      %dma_wait3A_82 = tpu.memref_slice %arg3[%add3A_32] : memref<131072xi32, #tpu.memory_space<hbm>> -> memref<512xi32, #tpu.memory_space<hbm>>
      tpu.wait_dma2 semaphore(%run_scoped3A : memref<!tpu.dma_semaphore, #tpu.memory_space<semaphore_mem>>) src(%dma_wait3A_82 : memref<512xi32, #tpu.memory_space<hbm>>) dst(%arg5 : memref<512xi32, #tpu.memory_space<vmem>>)
      tpu.yield
    }) : () -> ()
    %dma_start3A_33 = arith.constant 0 : i32
    %dma_start3A_34 = arith.constant 0 : i32
    %dma_start3A_35 = tpu.memref_slice %arg2[%dma_start3A_33, %dma_start3A_34] : memref<51200x128xf32, #tpu.memory_space<hbm>> -> memref<51200x128xf32, #tpu.memory_space<hbm>>
    tpu.enqueue_indirect_dma source(%dma_start3A_35 : memref<51200x128xf32, #tpu.memory_space<hbm>>) target(%arg6 : memref<512x128xf32, #tpu.memory_space<vmem>>) offsets(%arg5 : memref<512xi32, #tpu.memory_space<vmem>>) semaphore(%arg7 : memref<!tpu.dma_semaphore, #tpu.memory_space<semaphore_mem>>)
    %dma_wait3A_36 = arith.constant 0 : i32
    %dma_wait3A_37 = arith.constant 0 : i32
    %dma_wait3A_38 = tpu.memref_slice %arg2[%dma_wait3A_36, %dma_wait3A_37] : memref<51200x128xf32, #tpu.memory_space<hbm>> -> memref<51200x128xf32, #tpu.memory_space<hbm>>
    tpu.wait_indirect_dma semaphore(%arg7 : memref<!tpu.dma_semaphore, #tpu.memory_space<semaphore_mem>>) src(%dma_wait3A_38 : memref<51200x128xf32, #tpu.memory_space<hbm>>) dst(%arg6 : memref<512x128xf32, #tpu.memory_space<vmem>>)
    "tpu.region"() ({
      %run_scoped3A = tpu.sem_alloc : memref<!tpu.dma_semaphore, #tpu.memory_space<semaphore_mem>>
      %dma_start3A_79 = arith.constant 0 : i32
      %dma_start3A_80 = tpu.memref_slice %arg4[%add3A_32, %dma_start3A_79] : memref<131072x128xf32, #tpu.memory_space<hbm>> -> memref<512x128xf32, #tpu.memory_space<hbm>>
      %dma_start3A_81 = arith.constant 0 : i32
      %dma_start3A_82 = tpu.memref_slice %arg4[%add3A_32, %dma_start3A_81] : memref<131072x128xf32, #tpu.memory_space<hbm>> -> memref<512x128xf32, #tpu.memory_space<hbm>>
      tpu.enqueue_dma source(%arg6 : memref<512x128xf32, #tpu.memory_space<vmem>>) target(%dma_start3A_82 : memref<512x128xf32, #tpu.memory_space<hbm>>) target_semaphore(%run_scoped3A : memref<!tpu.dma_semaphore, #tpu.memory_space<semaphore_mem>>)
      %dma_wait3A_83 = arith.constant 0 : i32
      %dma_wait3A_84 = tpu.memref_slice %arg4[%add3A_32, %dma_wait3A_83] : memref<131072x128xf32, #tpu.memory_space<hbm>> -> memref<512x128xf32, #tpu.memory_space<hbm>>
      %dma_wait3A_85 = arith.constant 0 : i32
      %dma_wait3A_86 = tpu.memref_slice %arg4[%add3A_32, %dma_wait3A_85] : memref<131072x128xf32, #tpu.memory_space<hbm>> -> memref<512x128xf32, #tpu.memory_space<hbm>>
      tpu.wait_dma2 semaphore(%run_scoped3A : memref<!tpu.dma_semaphore, #tpu.memory_space<semaphore_mem>>) src(%arg6 : memref<512x128xf32, #tpu.memory_space<vmem>>) dst(%dma_wait3A_86 : memref<512x128xf32, #tpu.memory_space<hbm>>)
      tpu.yield
    }) : () -> ()
    %mul3A_39 = arith.constant 4096 : i32
    %mul3A_40 = arith.muli %add3A, %mul3A_39 : i32
    %add3A_41 = arith.constant 2048 : i32
    %add3A_42 = arith.addi %mul3A_40, %add3A_41 : i32
    "tpu.region"() ({
      %run_scoped3A = tpu.sem_alloc : memref<!tpu.dma_semaphore, #tpu.memory_space<semaphore_mem>>
      %dma_start3A_79 = tpu.memref_slice %arg3[%add3A_42] : memref<131072xi32, #tpu.memory_space<hbm>> -> memref<512xi32, #tpu.memory_space<hbm>>
      %dma_start3A_80 = tpu.memref_slice %arg3[%add3A_42] : memref<131072xi32, #tpu.memory_space<hbm>> -> memref<512xi32, #tpu.memory_space<hbm>>
      tpu.enqueue_dma source(%dma_start3A_80 : memref<512xi32, #tpu.memory_space<hbm>>) target(%arg5 : memref<512xi32, #tpu.memory_space<vmem>>) target_semaphore(%run_scoped3A : memref<!tpu.dma_semaphore, #tpu.memory_space<semaphore_mem>>)
      %dma_wait3A_81 = tpu.memref_slice %arg3[%add3A_42] : memref<131072xi32, #tpu.memory_space<hbm>> -> memref<512xi32, #tpu.memory_space<hbm>>
      %dma_wait3A_82 = tpu.memref_slice %arg3[%add3A_42] : memref<131072xi32, #tpu.memory_space<hbm>> -> memref<512xi32, #tpu.memory_space<hbm>>
      tpu.wait_dma2 semaphore(%run_scoped3A : memref<!tpu.dma_semaphore, #tpu.memory_space<semaphore_mem>>) src(%dma_wait3A_82 : memref<512xi32, #tpu.memory_space<hbm>>) dst(%arg5 : memref<512xi32, #tpu.memory_space<vmem>>)
      tpu.yield
    }) : () -> ()
    %dma_start3A_43 = arith.constant 0 : i32
    %dma_start3A_44 = arith.constant 0 : i32
    %dma_start3A_45 = tpu.memref_slice %arg2[%dma_start3A_43, %dma_start3A_44] : memref<51200x128xf32, #tpu.memory_space<hbm>> -> memref<51200x128xf32, #tpu.memory_space<hbm>>
    tpu.enqueue_indirect_dma source(%dma_start3A_45 : memref<51200x128xf32, #tpu.memory_space<hbm>>) target(%arg6 : memref<512x128xf32, #tpu.memory_space<vmem>>) offsets(%arg5 : memref<512xi32, #tpu.memory_space<vmem>>) semaphore(%arg7 : memref<!tpu.dma_semaphore, #tpu.memory_space<semaphore_mem>>)
    %dma_wait3A_46 = arith.constant 0 : i32
    %dma_wait3A_47 = arith.constant 0 : i32
    %dma_wait3A_48 = tpu.memref_slice %arg2[%dma_wait3A_46, %dma_wait3A_47] : memref<51200x128xf32, #tpu.memory_space<hbm>> -> memref<51200x128xf32, #tpu.memory_space<hbm>>
    tpu.wait_indirect_dma semaphore(%arg7 : memref<!tpu.dma_semaphore, #tpu.memory_space<semaphore_mem>>) src(%dma_wait3A_48 : memref<51200x128xf32, #tpu.memory_space<hbm>>) dst(%arg6 : memref<512x128xf32, #tpu.memory_space<vmem>>)
    "tpu.region"() ({
      %run_scoped3A = tpu.sem_alloc : memref<!tpu.dma_semaphore, #tpu.memory_space<semaphore_mem>>
      %dma_start3A_79 = arith.constant 0 : i32
      %dma_start3A_80 = tpu.memref_slice %arg4[%add3A_42, %dma_start3A_79] : memref<131072x128xf32, #tpu.memory_space<hbm>> -> memref<512x128xf32, #tpu.memory_space<hbm>>
      %dma_start3A_81 = arith.constant 0 : i32
      %dma_start3A_82 = tpu.memref_slice %arg4[%add3A_42, %dma_start3A_81] : memref<131072x128xf32, #tpu.memory_space<hbm>> -> memref<512x128xf32, #tpu.memory_space<hbm>>
      tpu.enqueue_dma source(%arg6 : memref<512x128xf32, #tpu.memory_space<vmem>>) target(%dma_start3A_82 : memref<512x128xf32, #tpu.memory_space<hbm>>) target_semaphore(%run_scoped3A : memref<!tpu.dma_semaphore, #tpu.memory_space<semaphore_mem>>)
      %dma_wait3A_83 = arith.constant 0 : i32
      %dma_wait3A_84 = tpu.memref_slice %arg4[%add3A_42, %dma_wait3A_83] : memref<131072x128xf32, #tpu.memory_space<hbm>> -> memref<512x128xf32, #tpu.memory_space<hbm>>
      %dma_wait3A_85 = arith.constant 0 : i32
      %dma_wait3A_86 = tpu.memref_slice %arg4[%add3A_42, %dma_wait3A_85] : memref<131072x128xf32, #tpu.memory_space<hbm>> -> memref<512x128xf32, #tpu.memory_space<hbm>>
      tpu.wait_dma2 semaphore(%run_scoped3A : memref<!tpu.dma_semaphore, #tpu.memory_space<semaphore_mem>>) src(%arg6 : memref<512x128xf32, #tpu.memory_space<vmem>>) dst(%dma_wait3A_86 : memref<512x128xf32, #tpu.memory_space<hbm>>)
      tpu.yield
    }) : () -> ()
    %mul3A_49 = arith.constant 4096 : i32
    %mul3A_50 = arith.muli %add3A, %mul3A_49 : i32
    %add3A_51 = arith.constant 2560 : i32
    %add3A_52 = arith.addi %mul3A_50, %add3A_51 : i32
    "tpu.region"() ({
      %run_scoped3A = tpu.sem_alloc : memref<!tpu.dma_semaphore, #tpu.memory_space<semaphore_mem>>
      %dma_start3A_79 = tpu.memref_slice %arg3[%add3A_52] : memref<131072xi32, #tpu.memory_space<hbm>> -> memref<512xi32, #tpu.memory_space<hbm>>
      %dma_start3A_80 = tpu.memref_slice %arg3[%add3A_52] : memref<131072xi32, #tpu.memory_space<hbm>> -> memref<512xi32, #tpu.memory_space<hbm>>
      tpu.enqueue_dma source(%dma_start3A_80 : memref<512xi32, #tpu.memory_space<hbm>>) target(%arg5 : memref<512xi32, #tpu.memory_space<vmem>>) target_semaphore(%run_scoped3A : memref<!tpu.dma_semaphore, #tpu.memory_space<semaphore_mem>>)
      %dma_wait3A_81 = tpu.memref_slice %arg3[%add3A_52] : memref<131072xi32, #tpu.memory_space<hbm>> -> memref<512xi32, #tpu.memory_space<hbm>>
      %dma_wait3A_82 = tpu.memref_slice %arg3[%add3A_52] : memref<131072xi32, #tpu.memory_space<hbm>> -> memref<512xi32, #tpu.memory_space<hbm>>
      tpu.wait_dma2 semaphore(%run_scoped3A : memref<!tpu.dma_semaphore, #tpu.memory_space<semaphore_mem>>) src(%dma_wait3A_82 : memref<512xi32, #tpu.memory_space<hbm>>) dst(%arg5 : memref<512xi32, #tpu.memory_space<vmem>>)
      tpu.yield
    }) : () -> ()
    %dma_start3A_53 = arith.constant 0 : i32
    %dma_start3A_54 = arith.constant 0 : i32
    %dma_start3A_55 = tpu.memref_slice %arg2[%dma_start3A_53, %dma_start3A_54] : memref<51200x128xf32, #tpu.memory_space<hbm>> -> memref<51200x128xf32, #tpu.memory_space<hbm>>
    tpu.enqueue_indirect_dma source(%dma_start3A_55 : memref<51200x128xf32, #tpu.memory_space<hbm>>) target(%arg6 : memref<512x128xf32, #tpu.memory_space<vmem>>) offsets(%arg5 : memref<512xi32, #tpu.memory_space<vmem>>) semaphore(%arg7 : memref<!tpu.dma_semaphore, #tpu.memory_space<semaphore_mem>>)
    %dma_wait3A_56 = arith.constant 0 : i32
    %dma_wait3A_57 = arith.constant 0 : i32
    %dma_wait3A_58 = tpu.memref_slice %arg2[%dma_wait3A_56, %dma_wait3A_57] : memref<51200x128xf32, #tpu.memory_space<hbm>> -> memref<51200x128xf32, #tpu.memory_space<hbm>>
    tpu.wait_indirect_dma semaphore(%arg7 : memref<!tpu.dma_semaphore, #tpu.memory_space<semaphore_mem>>) src(%dma_wait3A_58 : memref<51200x128xf32, #tpu.memory_space<hbm>>) dst(%arg6 : memref<512x128xf32, #tpu.memory_space<vmem>>)
    "tpu.region"() ({
      %run_scoped3A = tpu.sem_alloc : memref<!tpu.dma_semaphore, #tpu.memory_space<semaphore_mem>>
      %dma_start3A_79 = arith.constant 0 : i32
      %dma_start3A_80 = tpu.memref_slice %arg4[%add3A_52, %dma_start3A_79] : memref<131072x128xf32, #tpu.memory_space<hbm>> -> memref<512x128xf32, #tpu.memory_space<hbm>>
      %dma_start3A_81 = arith.constant 0 : i32
      %dma_start3A_82 = tpu.memref_slice %arg4[%add3A_52, %dma_start3A_81] : memref<131072x128xf32, #tpu.memory_space<hbm>> -> memref<512x128xf32, #tpu.memory_space<hbm>>
      tpu.enqueue_dma source(%arg6 : memref<512x128xf32, #tpu.memory_space<vmem>>) target(%dma_start3A_82 : memref<512x128xf32, #tpu.memory_space<hbm>>) target_semaphore(%run_scoped3A : memref<!tpu.dma_semaphore, #tpu.memory_space<semaphore_mem>>)
      %dma_wait3A_83 = arith.constant 0 : i32
      %dma_wait3A_84 = tpu.memref_slice %arg4[%add3A_52, %dma_wait3A_83] : memref<131072x128xf32, #tpu.memory_space<hbm>> -> memref<512x128xf32, #tpu.memory_space<hbm>>
      %dma_wait3A_85 = arith.constant 0 : i32
      %dma_wait3A_86 = tpu.memref_slice %arg4[%add3A_52, %dma_wait3A_85] : memref<131072x128xf32, #tpu.memory_space<hbm>> -> memref<512x128xf32, #tpu.memory_space<hbm>>
      tpu.wait_dma2 semaphore(%run_scoped3A : memref<!tpu.dma_semaphore, #tpu.memory_space<semaphore_mem>>) src(%arg6 : memref<512x128xf32, #tpu.memory_space<vmem>>) dst(%dma_wait3A_86 : memref<512x128xf32, #tpu.memory_space<hbm>>)
      tpu.yield
    }) : () -> ()
    %mul3A_59 = arith.constant 4096 : i32
    %mul3A_60 = arith.muli %add3A, %mul3A_59 : i32
    %add3A_61 = arith.constant 3072 : i32
    %add3A_62 = arith.addi %mul3A_60, %add3A_61 : i32
    "tpu.region"() ({
      %run_scoped3A = tpu.sem_alloc : memref<!tpu.dma_semaphore, #tpu.memory_space<semaphore_mem>>
      %dma_start3A_79 = tpu.memref_slice %arg3[%add3A_62] : memref<131072xi32, #tpu.memory_space<hbm>> -> memref<512xi32, #tpu.memory_space<hbm>>
      %dma_start3A_80 = tpu.memref_slice %arg3[%add3A_62] : memref<131072xi32, #tpu.memory_space<hbm>> -> memref<512xi32, #tpu.memory_space<hbm>>
      tpu.enqueue_dma source(%dma_start3A_80 : memref<512xi32, #tpu.memory_space<hbm>>) target(%arg5 : memref<512xi32, #tpu.memory_space<vmem>>) target_semaphore(%run_scoped3A : memref<!tpu.dma_semaphore, #tpu.memory_space<semaphore_mem>>)
      %dma_wait3A_81 = tpu.memref_slice %arg3[%add3A_62] : memref<131072xi32, #tpu.memory_space<hbm>> -> memref<512xi32, #tpu.memory_space<hbm>>
      %dma_wait3A_82 = tpu.memref_slice %arg3[%add3A_62] : memref<131072xi32, #tpu.memory_space<hbm>> -> memref<512xi32, #tpu.memory_space<hbm>>
      tpu.wait_dma2 semaphore(%run_scoped3A : memref<!tpu.dma_semaphore, #tpu.memory_space<semaphore_mem>>) src(%dma_wait3A_82 : memref<512xi32, #tpu.memory_space<hbm>>) dst(%arg5 : memref<512xi32, #tpu.memory_space<vmem>>)
      tpu.yield
    }) : () -> ()
    %dma_start3A_63 = arith.constant 0 : i32
    %dma_start3A_64 = arith.constant 0 : i32
    %dma_start3A_65 = tpu.memref_slice %arg2[%dma_start3A_63, %dma_start3A_64] : memref<51200x128xf32, #tpu.memory_space<hbm>> -> memref<51200x128xf32, #tpu.memory_space<hbm>>
    tpu.enqueue_indirect_dma source(%dma_start3A_65 : memref<51200x128xf32, #tpu.memory_space<hbm>>) target(%arg6 : memref<512x128xf32, #tpu.memory_space<vmem>>) offsets(%arg5 : memref<512xi32, #tpu.memory_space<vmem>>) semaphore(%arg7 : memref<!tpu.dma_semaphore, #tpu.memory_space<semaphore_mem>>)
    %dma_wait3A_66 = arith.constant 0 : i32
    %dma_wait3A_67 = arith.constant 0 : i32
    %dma_wait3A_68 = tpu.memref_slice %arg2[%dma_wait3A_66, %dma_wait3A_67] : memref<51200x128xf32, #tpu.memory_space<hbm>> -> memref<51200x128xf32, #tpu.memory_space<hbm>>
    tpu.wait_indirect_dma semaphore(%arg7 : memref<!tpu.dma_semaphore, #tpu.memory_space<semaphore_mem>>) src(%dma_wait3A_68 : memref<51200x128xf32, #tpu.memory_space<hbm>>) dst(%arg6 : memref<512x128xf32, #tpu.memory_space<vmem>>)
    "tpu.region"() ({
      %run_scoped3A = tpu.sem_alloc : memref<!tpu.dma_semaphore, #tpu.memory_space<semaphore_mem>>
      %dma_start3A_79 = arith.constant 0 : i32
      %dma_start3A_80 = tpu.memref_slice %arg4[%add3A_62, %dma_start3A_79] : memref<131072x128xf32, #tpu.memory_space<hbm>> -> memref<512x128xf32, #tpu.memory_space<hbm>>
      %dma_start3A_81 = arith.constant 0 : i32
      %dma_start3A_82 = tpu.memref_slice %arg4[%add3A_62, %dma_start3A_81] : memref<131072x128xf32, #tpu.memory_space<hbm>> -> memref<512x128xf32, #tpu.memory_space<hbm>>
      tpu.enqueue_dma source(%arg6 : memref<512x128xf32, #tpu.memory_space<vmem>>) target(%dma_start3A_82 : memref<512x128xf32, #tpu.memory_space<hbm>>) target_semaphore(%run_scoped3A : memref<!tpu.dma_semaphore, #tpu.memory_space<semaphore_mem>>)
      %dma_wait3A_83 = arith.constant 0 : i32
      %dma_wait3A_84 = tpu.memref_slice %arg4[%add3A_62, %dma_wait3A_83] : memref<131072x128xf32, #tpu.memory_space<hbm>> -> memref<512x128xf32, #tpu.memory_space<hbm>>
      %dma_wait3A_85 = arith.constant 0 : i32
      %dma_wait3A_86 = tpu.memref_slice %arg4[%add3A_62, %dma_wait3A_85] : memref<131072x128xf32, #tpu.memory_space<hbm>> -> memref<512x128xf32, #tpu.memory_space<hbm>>
      tpu.wait_dma2 semaphore(%run_scoped3A : memref<!tpu.dma_semaphore, #tpu.memory_space<semaphore_mem>>) src(%arg6 : memref<512x128xf32, #tpu.memory_space<vmem>>) dst(%dma_wait3A_86 : memref<512x128xf32, #tpu.memory_space<hbm>>)
      tpu.yield
    }) : () -> ()
    %mul3A_69 = arith.constant 4096 : i32
    %mul3A_70 = arith.muli %add3A, %mul3A_69 : i32
    %add3A_71 = arith.constant 3584 : i32
    %add3A_72 = arith.addi %mul3A_70, %add3A_71 : i32
    "tpu.region"() ({
      %run_scoped3A = tpu.sem_alloc : memref<!tpu.dma_semaphore, #tpu.memory_space<semaphore_mem>>
      %dma_start3A_79 = tpu.memref_slice %arg3[%add3A_72] : memref<131072xi32, #tpu.memory_space<hbm>> -> memref<512xi32, #tpu.memory_space<hbm>>
      %dma_start3A_80 = tpu.memref_slice %arg3[%add3A_72] : memref<131072xi32, #tpu.memory_space<hbm>> -> memref<512xi32, #tpu.memory_space<hbm>>
      tpu.enqueue_dma source(%dma_start3A_80 : memref<512xi32, #tpu.memory_space<hbm>>) target(%arg5 : memref<512xi32, #tpu.memory_space<vmem>>) target_semaphore(%run_scoped3A : memref<!tpu.dma_semaphore, #tpu.memory_space<semaphore_mem>>)
      %dma_wait3A_81 = tpu.memref_slice %arg3[%add3A_72] : memref<131072xi32, #tpu.memory_space<hbm>> -> memref<512xi32, #tpu.memory_space<hbm>>
      %dma_wait3A_82 = tpu.memref_slice %arg3[%add3A_72] : memref<131072xi32, #tpu.memory_space<hbm>> -> memref<512xi32, #tpu.memory_space<hbm>>
      tpu.wait_dma2 semaphore(%run_scoped3A : memref<!tpu.dma_semaphore, #tpu.memory_space<semaphore_mem>>) src(%dma_wait3A_82 : memref<512xi32, #tpu.memory_space<hbm>>) dst(%arg5 : memref<512xi32, #tpu.memory_space<vmem>>)
      tpu.yield
    }) : () -> ()
    %dma_start3A_73 = arith.constant 0 : i32
    %dma_start3A_74 = arith.constant 0 : i32
    %dma_start3A_75 = tpu.memref_slice %arg2[%dma_start3A_73, %dma_start3A_74] : memref<51200x128xf32, #tpu.memory_space<hbm>> -> memref<51200x128xf32, #tpu.memory_space<hbm>>
    tpu.enqueue_indirect_dma source(%dma_start3A_75 : memref<51200x128xf32, #tpu.memory_space<hbm>>) target(%arg6 : memref<512x128xf32, #tpu.memory_space<vmem>>) offsets(%arg5 : memref<512xi32, #tpu.memory_space<vmem>>) semaphore(%arg7 : memref<!tpu.dma_semaphore, #tpu.memory_space<semaphore_mem>>)
    %dma_wait3A_76 = arith.constant 0 : i32
    %dma_wait3A_77 = arith.constant 0 : i32
    %dma_wait3A_78 = tpu.memref_slice %arg2[%dma_wait3A_76, %dma_wait3A_77] : memref<51200x128xf32, #tpu.memory_space<hbm>> -> memref<51200x128xf32, #tpu.memory_space<hbm>>
    tpu.wait_indirect_dma semaphore(%arg7 : memref<!tpu.dma_semaphore, #tpu.memory_space<semaphore_mem>>) src(%dma_wait3A_78 : memref<51200x128xf32, #tpu.memory_space<hbm>>) dst(%arg6 : memref<512x128xf32, #tpu.memory_space<vmem>>)
    "tpu.region"() ({
      %run_scoped3A = tpu.sem_alloc : memref<!tpu.dma_semaphore, #tpu.memory_space<semaphore_mem>>
      %dma_start3A_79 = arith.constant 0 : i32
      %dma_start3A_80 = tpu.memref_slice %arg4[%add3A_72, %dma_start3A_79] : memref<131072x128xf32, #tpu.memory_space<hbm>> -> memref<512x128xf32, #tpu.memory_space<hbm>>
      %dma_start3A_81 = arith.constant 0 : i32
      %dma_start3A_82 = tpu.memref_slice %arg4[%add3A_72, %dma_start3A_81] : memref<131072x128xf32, #tpu.memory_space<hbm>> -> memref<512x128xf32, #tpu.memory_space<hbm>>
      tpu.enqueue_dma source(%arg6 : memref<512x128xf32, #tpu.memory_space<vmem>>) target(%dma_start3A_82 : memref<512x128xf32, #tpu.memory_space<hbm>>) target_semaphore(%run_scoped3A : memref<!tpu.dma_semaphore, #tpu.memory_space<semaphore_mem>>)
      %dma_wait3A_83 = arith.constant 0 : i32
      %dma_wait3A_84 = tpu.memref_slice %arg4[%add3A_72, %dma_wait3A_83] : memref<131072x128xf32, #tpu.memory_space<hbm>> -> memref<512x128xf32, #tpu.memory_space<hbm>>
      %dma_wait3A_85 = arith.constant 0 : i32
      %dma_wait3A_86 = tpu.memref_slice %arg4[%add3A_72, %dma_wait3A_85] : memref<131072x128xf32, #tpu.memory_space<hbm>> -> memref<512x128xf32, #tpu.memory_space<hbm>>
      tpu.wait_dma2 semaphore(%run_scoped3A : memref<!tpu.dma_semaphore, #tpu.memory_space<semaphore_mem>>) src(%arg6 : memref<512x128xf32, #tpu.memory_space<vmem>>) dst(%dma_wait3A_86 : memref<512x128xf32, #tpu.memory_space<hbm>>)
      tpu.yield
    }) : () -> ()
    return
  }
}

#map = affine_map<(d0, d1) -> (0, 0)>
#map1 = affine_map<(d0, d1) -> (0)>
module attributes {stable_mosaic.version = 14 : i64} {
  func.func @k(%arg0: i32, %arg1: i32, %arg2: memref<101024x128xf32, #tpu.memory_space<hbm>>, %arg3: memref<16384xi32, #tpu.memory_space<hbm>>, %arg4: memref<16384x128xf32, #tpu.memory_space<hbm>>, %arg5: memref<512xi32, #tpu.memory_space<vmem>>, %arg6: memref<512x128xf32, #tpu.memory_space<vmem>>, %arg7: memref<!tpu.dma_semaphore, #tpu.memory_space<semaphore_mem>>) attributes {dimension_semantics = [#tpu.dimension_semantics<core_parallel>, #tpu.dimension_semantics<subcore_parallel>], iteration_bounds = array<i64: 2, 16>, scalar_prefetch = 0 : i64, scratch_operands = 3 : i64, tpu.core_type = #tpu.core_type<sc_vector_subcore>, window_params = [{transform_indices = #map}, {transform_indices = #map1}, {transform_indices = #map}]} {
    %mul3A = arith.constant 2 : i32
    %mul3A_0 = arith.muli %arg1, %mul3A : i32
    %add3A = arith.addi %mul3A_0, %arg0 : i32
    %mul3A_1 = arith.constant 512 : i32
    %mul3A_2 = arith.muli %add3A, %mul3A_1 : i32
    %add3A_3 = arith.constant 0 : i32
    %add3A_4 = arith.addi %mul3A_2, %add3A_3 : i32
    "tpu.region"() ({
      %run_scoped3A = tpu.sem_alloc : memref<!tpu.dma_semaphore, #tpu.memory_space<semaphore_mem>>
      %dma_start3A_9 = tpu.memref_slice %arg3[%add3A_4] : memref<16384xi32, #tpu.memory_space<hbm>> -> memref<512xi32, #tpu.memory_space<hbm>>
      %dma_start3A_10 = tpu.memref_slice %arg3[%add3A_4] : memref<16384xi32, #tpu.memory_space<hbm>> -> memref<512xi32, #tpu.memory_space<hbm>>
      tpu.enqueue_dma source(%dma_start3A_10 : memref<512xi32, #tpu.memory_space<hbm>>) target(%arg5 : memref<512xi32, #tpu.memory_space<vmem>>) target_semaphore(%run_scoped3A : memref<!tpu.dma_semaphore, #tpu.memory_space<semaphore_mem>>)
      %dma_wait3A_11 = tpu.memref_slice %arg3[%add3A_4] : memref<16384xi32, #tpu.memory_space<hbm>> -> memref<512xi32, #tpu.memory_space<hbm>>
      %dma_wait3A_12 = tpu.memref_slice %arg3[%add3A_4] : memref<16384xi32, #tpu.memory_space<hbm>> -> memref<512xi32, #tpu.memory_space<hbm>>
      tpu.wait_dma2 semaphore(%run_scoped3A : memref<!tpu.dma_semaphore, #tpu.memory_space<semaphore_mem>>) src(%dma_wait3A_12 : memref<512xi32, #tpu.memory_space<hbm>>) dst(%arg5 : memref<512xi32, #tpu.memory_space<vmem>>)
      tpu.yield
    }) : () -> ()
    %dma_start3A = arith.constant 0 : i32
    %dma_start3A_5 = arith.constant 0 : i32
    %dma_start3A_6 = tpu.memref_slice %arg2[%dma_start3A, %dma_start3A_5] : memref<101024x128xf32, #tpu.memory_space<hbm>> -> memref<101024x128xf32, #tpu.memory_space<hbm>>
    tpu.enqueue_indirect_dma source(%dma_start3A_6 : memref<101024x128xf32, #tpu.memory_space<hbm>>) target(%arg6 : memref<512x128xf32, #tpu.memory_space<vmem>>) offsets(%arg5 : memref<512xi32, #tpu.memory_space<vmem>>) semaphore(%arg7 : memref<!tpu.dma_semaphore, #tpu.memory_space<semaphore_mem>>)
    %dma_wait3A = arith.constant 0 : i32
    %dma_wait3A_7 = arith.constant 0 : i32
    %dma_wait3A_8 = tpu.memref_slice %arg2[%dma_wait3A, %dma_wait3A_7] : memref<101024x128xf32, #tpu.memory_space<hbm>> -> memref<101024x128xf32, #tpu.memory_space<hbm>>
    tpu.wait_indirect_dma semaphore(%arg7 : memref<!tpu.dma_semaphore, #tpu.memory_space<semaphore_mem>>) src(%dma_wait3A_8 : memref<101024x128xf32, #tpu.memory_space<hbm>>) dst(%arg6 : memref<512x128xf32, #tpu.memory_space<vmem>>)
    "tpu.region"() ({
      %run_scoped3A = tpu.sem_alloc : memref<!tpu.dma_semaphore, #tpu.memory_space<semaphore_mem>>
      %dma_start3A_9 = arith.constant 0 : i32
      %dma_start3A_10 = tpu.memref_slice %arg4[%add3A_4, %dma_start3A_9] : memref<16384x128xf32, #tpu.memory_space<hbm>> -> memref<512x128xf32, #tpu.memory_space<hbm>>
      %dma_start3A_11 = arith.constant 0 : i32
      %dma_start3A_12 = tpu.memref_slice %arg4[%add3A_4, %dma_start3A_11] : memref<16384x128xf32, #tpu.memory_space<hbm>> -> memref<512x128xf32, #tpu.memory_space<hbm>>
      tpu.enqueue_dma source(%arg6 : memref<512x128xf32, #tpu.memory_space<vmem>>) target(%dma_start3A_12 : memref<512x128xf32, #tpu.memory_space<hbm>>) target_semaphore(%run_scoped3A : memref<!tpu.dma_semaphore, #tpu.memory_space<semaphore_mem>>)
      %dma_wait3A_13 = arith.constant 0 : i32
      %dma_wait3A_14 = tpu.memref_slice %arg4[%add3A_4, %dma_wait3A_13] : memref<16384x128xf32, #tpu.memory_space<hbm>> -> memref<512x128xf32, #tpu.memory_space<hbm>>
      %dma_wait3A_15 = arith.constant 0 : i32
      %dma_wait3A_16 = tpu.memref_slice %arg4[%add3A_4, %dma_wait3A_15] : memref<16384x128xf32, #tpu.memory_space<hbm>> -> memref<512x128xf32, #tpu.memory_space<hbm>>
      tpu.wait_dma2 semaphore(%run_scoped3A : memref<!tpu.dma_semaphore, #tpu.memory_space<semaphore_mem>>) src(%arg6 : memref<512x128xf32, #tpu.memory_space<vmem>>) dst(%dma_wait3A_16 : memref<512x128xf32, #tpu.memory_space<hbm>>)
      tpu.yield
    }) : () -> ()
    return
  }
}

#map = affine_map<(d0, d1) -> (0)>
module attributes {stable_mosaic.version = 14 : i64} {
  func.func @k(%arg0: i32, %arg1: i32, %arg2: memref<102400xf32, #tpu.memory_space<hbm>>, %arg3: memref<262144xi32, #tpu.memory_space<hbm>>, %arg4: memref<262144xf32, #tpu.memory_space<hbm>>, %arg5: memref<8192xi32, #tpu.memory_space<vmem>>, %arg6: memref<8192xf32, #tpu.memory_space<vmem>>, %arg7: memref<!tpu.dma_semaphore, #tpu.memory_space<semaphore_mem>>) attributes {dimension_semantics = [#tpu.dimension_semantics<core_parallel>, #tpu.dimension_semantics<subcore_parallel>], iteration_bounds = array<i64: 2, 16>, scalar_prefetch = 0 : i64, scratch_operands = 3 : i64, tpu.core_type = #tpu.core_type<sc_vector_subcore>, window_params = [{transform_indices = #map}, {transform_indices = #map}, {transform_indices = #map}]} {
    %mul3A = arith.constant 2 : i32
    %mul3A_0 = arith.muli %arg1, %mul3A : i32
    %add3A = arith.addi %mul3A_0, %arg0 : i32
    %mul3A_1 = arith.constant 8192 : i32
    %mul3A_2 = arith.muli %add3A, %mul3A_1 : i32
    "tpu.region"() ({
      %run_scoped3A = tpu.sem_alloc : memref<!tpu.dma_semaphore, #tpu.memory_space<semaphore_mem>>
      %dma_start3A_5 = tpu.memref_slice %arg3[%mul3A_2] : memref<262144xi32, #tpu.memory_space<hbm>> -> memref<8192xi32, #tpu.memory_space<hbm>>
      %dma_start3A_6 = tpu.memref_slice %arg3[%mul3A_2] : memref<262144xi32, #tpu.memory_space<hbm>> -> memref<8192xi32, #tpu.memory_space<hbm>>
      tpu.enqueue_dma source(%dma_start3A_6 : memref<8192xi32, #tpu.memory_space<hbm>>) target(%arg5 : memref<8192xi32, #tpu.memory_space<vmem>>) target_semaphore(%run_scoped3A : memref<!tpu.dma_semaphore, #tpu.memory_space<semaphore_mem>>)
      %dma_wait3A_7 = tpu.memref_slice %arg3[%mul3A_2] : memref<262144xi32, #tpu.memory_space<hbm>> -> memref<8192xi32, #tpu.memory_space<hbm>>
      %dma_wait3A_8 = tpu.memref_slice %arg3[%mul3A_2] : memref<262144xi32, #tpu.memory_space<hbm>> -> memref<8192xi32, #tpu.memory_space<hbm>>
      tpu.wait_dma2 semaphore(%run_scoped3A : memref<!tpu.dma_semaphore, #tpu.memory_space<semaphore_mem>>) src(%dma_wait3A_8 : memref<8192xi32, #tpu.memory_space<hbm>>) dst(%arg5 : memref<8192xi32, #tpu.memory_space<vmem>>)
      tpu.yield
    }) : () -> ()
    %dma_start3A = arith.constant 0 : i32
    %dma_start3A_3 = tpu.memref_slice %arg2[%dma_start3A] : memref<102400xf32, #tpu.memory_space<hbm>> -> memref<102400xf32, #tpu.memory_space<hbm>>
    tpu.enqueue_indirect_dma source(%dma_start3A_3 : memref<102400xf32, #tpu.memory_space<hbm>>) target(%arg6 : memref<8192xf32, #tpu.memory_space<vmem>>) offsets(%arg5 : memref<8192xi32, #tpu.memory_space<vmem>>) semaphore(%arg7 : memref<!tpu.dma_semaphore, #tpu.memory_space<semaphore_mem>>)
    %dma_wait3A = arith.constant 0 : i32
    %dma_wait3A_4 = tpu.memref_slice %arg2[%dma_wait3A] : memref<102400xf32, #tpu.memory_space<hbm>> -> memref<102400xf32, #tpu.memory_space<hbm>>
    tpu.wait_indirect_dma semaphore(%arg7 : memref<!tpu.dma_semaphore, #tpu.memory_space<semaphore_mem>>) src(%dma_wait3A_4 : memref<102400xf32, #tpu.memory_space<hbm>>) dst(%arg6 : memref<8192xf32, #tpu.memory_space<vmem>>)
    "tpu.region"() ({
      %run_scoped3A = tpu.sem_alloc : memref<!tpu.dma_semaphore, #tpu.memory_space<semaphore_mem>>
      %dma_start3A_5 = tpu.memref_slice %arg4[%mul3A_2] : memref<262144xf32, #tpu.memory_space<hbm>> -> memref<8192xf32, #tpu.memory_space<hbm>>
      %dma_start3A_6 = tpu.memref_slice %arg4[%mul3A_2] : memref<262144xf32, #tpu.memory_space<hbm>> -> memref<8192xf32, #tpu.memory_space<hbm>>
      tpu.enqueue_dma source(%arg6 : memref<8192xf32, #tpu.memory_space<vmem>>) target(%dma_start3A_6 : memref<8192xf32, #tpu.memory_space<hbm>>) target_semaphore(%run_scoped3A : memref<!tpu.dma_semaphore, #tpu.memory_space<semaphore_mem>>)
      %dma_wait3A_7 = tpu.memref_slice %arg4[%mul3A_2] : memref<262144xf32, #tpu.memory_space<hbm>> -> memref<8192xf32, #tpu.memory_space<hbm>>
      %dma_wait3A_8 = tpu.memref_slice %arg4[%mul3A_2] : memref<262144xf32, #tpu.memory_space<hbm>> -> memref<8192xf32, #tpu.memory_space<hbm>>
      tpu.wait_dma2 semaphore(%run_scoped3A : memref<!tpu.dma_semaphore, #tpu.memory_space<semaphore_mem>>) src(%arg6 : memref<8192xf32, #tpu.memory_space<vmem>>) dst(%dma_wait3A_8 : memref<8192xf32, #tpu.memory_space<hbm>>)
      tpu.yield
    }) : () -> ()
    return
  }
}

module attributes {stable_mosaic.version = 14 : i64} {
  func.func @_stage_a_body(%arg0: i32, %arg1: memref<1024x64xf32, #tpu.memory_space<vmem>>, %arg2: memref<2048x64xf32, #tpu.memory_space<vmem>>, %arg3: memref<1x1x2048xf32, #tpu.memory_space<vmem>>, %arg4: memref<1x1x2048xf32, #tpu.memory_space<vmem>>, %arg5: memref<1024x128xf32, #tpu.memory_space<vmem>>) attributes {dimension_semantics = [#tpu.dimension_semantics<arbitrary>], iteration_bounds = array<i64: 50>, scalar_prefetch = 0 : i64, scratch_operands = 0 : i64, tpu.core_type = #tpu.core_type<tc>, window_params = [{pipeline_mode = #tpu.pipeline_mode<synchronous>, transform_indices = @transform_0, window_bounds = array<i64: 1024, 64>}, {transform_indices = @transform_1, window_bounds = array<i64: 2048, 64>}, {transform_indices = @transform_2, window_bounds = array<i64: 1, 1, 2048>}, {transform_indices = @transform_3, window_bounds = array<i64: 1, 1, 2048>}, {transform_indices = @transform_4, window_bounds = array<i64: 1024, 128>}]} {
    %get3A = arith.constant 0 : index
    %get3A_0 = arith.constant 0 : index
    %get3A_1 = vector.load %arg1[%get3A, %get3A_0] : memref<1024x64xf32, #tpu.memory_space<vmem>>, vector<1024x64xf32>
    %get3A_2 = arith.constant 0 : index
    %get3A_3 = arith.constant 0 : index
    %get3A_4 = vector.load %arg2[%get3A_2, %get3A_3] : memref<2048x64xf32, #tpu.memory_space<vmem>>, vector<2048x64xf32>
    %dot_general3A = arith.constant dense<0.000000e+00> : vector<1024x2048xf32>
    %dot_general3A_5 = tpu.matmul %get3A_1, %get3A_4, %dot_general3A {dimension_numbers = #tpu.dot_dimension_numbers<[1], [1], [0], [0], [0, 0, 1, 0], [], []>, transpose_lhs_hint = false} : vector<1024x64xf32>, vector<2048x64xf32>, vector<1024x2048xf32> -> vector<1024x2048xf32>
    %get3A_6 = arith.constant 0 : index
    %get3A_7 = arith.constant 0 : index
    %get3A_8 = arith.constant 0 : index
    %get3A_9 = vector.load %arg3[%get3A_6, %get3A_7, %get3A_8] : memref<1x1x2048xf32, #tpu.memory_space<vmem>>, vector<1x1x2048xf32>
    %get3A_10 = vector.shape_cast %get3A_9 : vector<1x1x2048xf32> to vector<2048xf32>
    %broadcast_in_dim3A = vector.shape_cast %get3A_10 : vector<2048xf32> to vector<1x2048xf32>
    %mul3A = vector.broadcast %broadcast_in_dim3A : vector<1x2048xf32> to vector<1024x2048xf32>
    %mul3A_11 = arith.mulf %dot_general3A_5, %mul3A : vector<1024x2048xf32>
    %get3A_12 = arith.constant 0 : index
    %get3A_13 = arith.constant 0 : index
    %get3A_14 = arith.constant 0 : index
    %get3A_15 = vector.load %arg4[%get3A_12, %get3A_13, %get3A_14] : memref<1x1x2048xf32, #tpu.memory_space<vmem>>, vector<1x1x2048xf32>
    %get3A_16 = vector.shape_cast %get3A_15 : vector<1x1x2048xf32> to vector<2048xf32>
    %broadcast_in_dim3A_17 = vector.shape_cast %get3A_16 : vector<2048xf32> to vector<1x2048xf32>
    %add3A = vector.broadcast %broadcast_in_dim3A_17 : vector<1x2048xf32> to vector<1024x2048xf32>
    %add3A_18 = arith.addf %mul3A_11, %add3A : vector<1024x2048xf32>
    %slice3A = vector.extract_strided_slice %add3A_18 {offsets = [0, 0], sizes = [1024, 128], strides = [1, 1]} : vector<1024x2048xf32> to vector<1024x128xf32>
    %slice3A_19 = vector.extract_strided_slice %add3A_18 {offsets = [0, 128], sizes = [1024, 128], strides = [1, 1]} : vector<1024x2048xf32> to vector<1024x128xf32>
    %max3A = arith.maximumf %slice3A, %slice3A_19 : vector<1024x128xf32>
    %slice3A_20 = vector.extract_strided_slice %add3A_18 {offsets = [0, 256], sizes = [1024, 128], strides = [1, 1]} : vector<1024x2048xf32> to vector<1024x128xf32>
    %max3A_21 = arith.maximumf %max3A, %slice3A_20 : vector<1024x128xf32>
    %slice3A_22 = vector.extract_strided_slice %add3A_18 {offsets = [0, 384], sizes = [1024, 128], strides = [1, 1]} : vector<1024x2048xf32> to vector<1024x128xf32>
    %max3A_23 = arith.maximumf %max3A_21, %slice3A_22 : vector<1024x128xf32>
    %slice3A_24 = vector.extract_strided_slice %add3A_18 {offsets = [0, 512], sizes = [1024, 128], strides = [1, 1]} : vector<1024x2048xf32> to vector<1024x128xf32>
    %max3A_25 = arith.maximumf %max3A_23, %slice3A_24 : vector<1024x128xf32>
    %slice3A_26 = vector.extract_strided_slice %add3A_18 {offsets = [0, 640], sizes = [1024, 128], strides = [1, 1]} : vector<1024x2048xf32> to vector<1024x128xf32>
    %max3A_27 = arith.maximumf %max3A_25, %slice3A_26 : vector<1024x128xf32>
    %slice3A_28 = vector.extract_strided_slice %add3A_18 {offsets = [0, 768], sizes = [1024, 128], strides = [1, 1]} : vector<1024x2048xf32> to vector<1024x128xf32>
    %max3A_29 = arith.maximumf %max3A_27, %slice3A_28 : vector<1024x128xf32>
    %slice3A_30 = vector.extract_strided_slice %add3A_18 {offsets = [0, 896], sizes = [1024, 128], strides = [1, 1]} : vector<1024x2048xf32> to vector<1024x128xf32>
    %max3A_31 = arith.maximumf %max3A_29, %slice3A_30 : vector<1024x128xf32>
    %slice3A_32 = vector.extract_strided_slice %add3A_18 {offsets = [0, 1024], sizes = [1024, 128], strides = [1, 1]} : vector<1024x2048xf32> to vector<1024x128xf32>
    %max3A_33 = arith.maximumf %max3A_31, %slice3A_32 : vector<1024x128xf32>
    %slice3A_34 = vector.extract_strided_slice %add3A_18 {offsets = [0, 1152], sizes = [1024, 128], strides = [1, 1]} : vector<1024x2048xf32> to vector<1024x128xf32>
    %max3A_35 = arith.maximumf %max3A_33, %slice3A_34 : vector<1024x128xf32>
    %slice3A_36 = vector.extract_strided_slice %add3A_18 {offsets = [0, 1280], sizes = [1024, 128], strides = [1, 1]} : vector<1024x2048xf32> to vector<1024x128xf32>
    %max3A_37 = arith.maximumf %max3A_35, %slice3A_36 : vector<1024x128xf32>
    %slice3A_38 = vector.extract_strided_slice %add3A_18 {offsets = [0, 1408], sizes = [1024, 128], strides = [1, 1]} : vector<1024x2048xf32> to vector<1024x128xf32>
    %max3A_39 = arith.maximumf %max3A_37, %slice3A_38 : vector<1024x128xf32>
    %slice3A_40 = vector.extract_strided_slice %add3A_18 {offsets = [0, 1536], sizes = [1024, 128], strides = [1, 1]} : vector<1024x2048xf32> to vector<1024x128xf32>
    %max3A_41 = arith.maximumf %max3A_39, %slice3A_40 : vector<1024x128xf32>
    %slice3A_42 = vector.extract_strided_slice %add3A_18 {offsets = [0, 1664], sizes = [1024, 128], strides = [1, 1]} : vector<1024x2048xf32> to vector<1024x128xf32>
    %max3A_43 = arith.maximumf %max3A_41, %slice3A_42 : vector<1024x128xf32>
    %slice3A_44 = vector.extract_strided_slice %add3A_18 {offsets = [0, 1792], sizes = [1024, 128], strides = [1, 1]} : vector<1024x2048xf32> to vector<1024x128xf32>
    %max3A_45 = arith.maximumf %max3A_43, %slice3A_44 : vector<1024x128xf32>
    %slice3A_46 = vector.extract_strided_slice %add3A_18 {offsets = [0, 1920], sizes = [1024, 128], strides = [1, 1]} : vector<1024x2048xf32> to vector<1024x128xf32>
    %max3A_47 = arith.maximumf %max3A_45, %slice3A_46 : vector<1024x128xf32>
    %swap3A = arith.constant 0 : index
    %swap3A_48 = arith.constant 0 : index
    %swap3A_49 = vector.load %arg5[%swap3A, %swap3A_48] : memref<1024x128xf32, #tpu.memory_space<vmem>>, vector<1024x128xf32>
    tpu.vector_store %arg5[%swap3A, %swap3A_48], %max3A_47 {strides = array<i32>} : memref<1024x128xf32, #tpu.memory_space<vmem>>, vector<1024x128xf32>,
    return
  }
  func.func @transform_0(%arg0: i32) -> (i32, i32) {
    %c0_i32 = arith.constant 0 : i32
    %c0_i32_0 = arith.constant 0 : i32
    %c0_i32_1 = arith.constant 0 : i32
    return %c0_i32, %c0_i32_0 : i32, i32
  }
  func.func @transform_1(%arg0: i32) -> (i32, i32) {
    %c0_i32 = arith.constant 0 : i32
    %c0_i32_0 = arith.constant 0 : i32
    return %arg0, %c0_i32 : i32, i32
  }
  func.func @transform_2(%arg0: i32) -> (i32, i32, i32) {
    %c0_i32 = arith.constant 0 : i32
    %c0_i32_0 = arith.constant 0 : i32
    %c0_i32_1 = arith.constant 0 : i32
    return %arg0, %c0_i32, %c0_i32_0 : i32, i32, i32
  }
  func.func @transform_3(%arg0: i32) -> (i32, i32, i32) {
    %c0_i32 = arith.constant 0 : i32
    %c0_i32_0 = arith.constant 0 : i32
    %c0_i32_1 = arith.constant 0 : i32
    return %arg0, %c0_i32, %c0_i32_0 : i32, i32, i32
  }
  func.func @transform_4(%arg0: i32) -> (i32, i32) {
    %c0_i32 = arith.constant 0 : i32
    %c0_i32_0 = arith.constant 0 : i32
    return %c0_i32, %arg0 : i32, i32
  }
}

module attributes {stable_mosaic.version = 14 : i64} {
  func.func @_stage_b_body(%arg0: i32, %arg1: memref<64x6400xf32, #tpu.memory_space<vmem>>, %arg2: memref<64x2x16x8xi32, #tpu.memory_space<vmem>>, %arg3: memref<64x16x8xi32, #tpu.memory_space<vmem>>) attributes {dimension_semantics = [#tpu.dimension_semantics<arbitrary>], iteration_bounds = array<i64: 16>, scalar_prefetch = 0 : i64, scratch_operands = 0 : i64, tpu.core_type = #tpu.core_type<tc>, window_params = [{transform_indices = @transform_0, window_bounds = array<i64: 64, 6400>}, {transform_indices = @transform_1, window_bounds = array<i64: 64, 2, 16, 8>}, {transform_indices = @transform_2, window_bounds = array<i64: 64, 16, 8>}]} {
    %get3A = arith.constant 0 : index
    %get3A_0 = arith.constant 0 : index
    %get3A_1 = vector.load %arg1[%get3A, %get3A_0] : memref<64x6400xf32, #tpu.memory_space<vmem>>, vector<64x6400xf32>
    %iota3A = tpu.iota {dimensions = array<i32: 1>} : vector<64x6400xi32>
    %reduce_max3A = arith.constant dense<0xFF800000> : vector<64xf32>
    %reduce_max3A_2 = vector.multi_reduction <maximumf>, %get3A_1, %reduce_max3A [1] : vector<64x6400xf32> to vector<64xf32>
    %broadcast_in_dim3A = vector.shape_cast %reduce_max3A_2 : vector<64xf32> to vector<64x1xf32>
    %eq3A = vector.broadcast %broadcast_in_dim3A : vector<64x1xf32> to vector<64x6400xf32>
    %eq3A_3 = arith.cmpf oeq, %get3A_1, %eq3A : vector<64x6400xf32>
    %jit3A = arith.constant 6400 : i32
    %broadcast_in_dim3A_4 = vector.broadcast %jit3A : i32 to vector<64x6400xi32>
    %select_n3A = arith.select %eq3A_3, %iota3A, %broadcast_in_dim3A_4 : vector<64x6400xi1>, vector<64x6400xi32>
    %reduce_min3A = arith.constant dense<2147483647> : vector<64xi32>
    %reduce_min3A_5 = vector.multi_reduction <minsi>, %select_n3A, %reduce_min3A [1] : vector<64x6400xi32> to vector<64xi32>
    %broadcast_in_dim3A_6 = vector.shape_cast %reduce_min3A_5 : vector<64xi32> to vector<64x1xi32>
    %eq3A_7 = vector.broadcast %broadcast_in_dim3A_6 : vector<64x1xi32> to vector<64x6400xi32>
    %eq3A_8 = arith.cmpi eq, %iota3A, %eq3A_7 : vector<64x6400xi32>
    %jit3A_9 = arith.constant -3.000000e+38 : f32
    %broadcast_in_dim3A_10 = vector.broadcast %jit3A_9 : f32 to vector<64x6400xf32>
    %select_n3A_11 = arith.select %eq3A_8, %broadcast_in_dim3A_10, %get3A_1 : vector<64x6400xi1>, vector<64x6400xf32>
    %reduce_max3A_12 = arith.constant dense<0xFF800000> : vector<64xf32>
    %reduce_max3A_13 = vector.multi_reduction <maximumf>, %select_n3A_11, %reduce_max3A_12 [1] : vector<64x6400xf32> to vector<64xf32>
    %broadcast_in_dim3A_14 = vector.shape_cast %reduce_max3A_13 : vector<64xf32> to vector<64x1xf32>
    %eq3A_15 = vector.broadcast %broadcast_in_dim3A_14 : vector<64x1xf32> to vector<64x6400xf32>
    %eq3A_16 = arith.cmpf oeq, %select_n3A_11, %eq3A_15 : vector<64x6400xf32>
    %jit3A_17 = arith.constant 6400 : i32
    %broadcast_in_dim3A_18 = vector.broadcast %jit3A_17 : i32 to vector<64x6400xi32>
    %select_n3A_19 = arith.select %eq3A_16, %iota3A, %broadcast_in_dim3A_18 : vector<64x6400xi1>, vector<64x6400xi32>
    %reduce_min3A_20 = arith.constant dense<2147483647> : vector<64xi32>
    %reduce_min3A_21 = vector.multi_reduction <minsi>, %select_n3A_19, %reduce_min3A_20 [1] : vector<64x6400xi32> to vector<64xi32>
    %broadcast_in_dim3A_22 = vector.shape_cast %reduce_min3A_21 : vector<64xi32> to vector<64x1xi32>
    %eq3A_23 = vector.broadcast %broadcast_in_dim3A_22 : vector<64x1xi32> to vector<64x6400xi32>
    %eq3A_24 = arith.cmpi eq, %iota3A, %eq3A_23 : vector<64x6400xi32>
    %jit3A_25 = arith.constant -3.000000e+38 : f32
    %broadcast_in_dim3A_26 = vector.broadcast %jit3A_25 : f32 to vector<64x6400xf32>
    %select_n3A_27 = arith.select %eq3A_24, %broadcast_in_dim3A_26, %select_n3A_11 : vector<64x6400xi1>, vector<64x6400xf32>
    %reduce_max3A_28 = arith.constant dense<0xFF800000> : vector<64xf32>
    %reduce_max3A_29 = vector.multi_reduction <maximumf>, %select_n3A_27, %reduce_max3A_28 [1] : vector<64x6400xf32> to vector<64xf32>
    %broadcast_in_dim3A_30 = vector.shape_cast %reduce_max3A_29 : vector<64xf32> to vector<64x1xf32>
    %eq3A_31 = vector.broadcast %broadcast_in_dim3A_30 : vector<64x1xf32> to vector<64x6400xf32>
    %eq3A_32 = arith.cmpf oeq, %select_n3A_27, %eq3A_31 : vector<64x6400xf32>
    %jit3A_33 = arith.constant 6400 : i32
    %broadcast_in_dim3A_34 = vector.broadcast %jit3A_33 : i32 to vector<64x6400xi32>
    %select_n3A_35 = arith.select %eq3A_32, %iota3A, %broadcast_in_dim3A_34 : vector<64x6400xi1>, vector<64x6400xi32>
    %reduce_min3A_36 = arith.constant dense<2147483647> : vector<64xi32>
    %reduce_min3A_37 = vector.multi_reduction <minsi>, %select_n3A_35, %reduce_min3A_36 [1] : vector<64x6400xi32> to vector<64xi32>
    %broadcast_in_dim3A_38 = vector.shape_cast %reduce_min3A_37 : vector<64xi32> to vector<64x1xi32>
    %eq3A_39 = vector.broadcast %broadcast_in_dim3A_38 : vector<64x1xi32> to vector<64x6400xi32>
    %eq3A_40 = arith.cmpi eq, %iota3A, %eq3A_39 : vector<64x6400xi32>
    %jit3A_41 = arith.constant -3.000000e+38 : f32
    %broadcast_in_dim3A_42 = vector.broadcast %jit3A_41 : f32 to vector<64x6400xf32>
    %select_n3A_43 = arith.select %eq3A_40, %broadcast_in_dim3A_42, %select_n3A_27 : vector<64x6400xi1>, vector<64x6400xf32>
    %reduce_max3A_44 = arith.constant dense<0xFF800000> : vector<64xf32>
    %reduce_max3A_45 = vector.multi_reduction <maximumf>, %select_n3A_43, %reduce_max3A_44 [1] : vector<64x6400xf32> to vector<64xf32>
    %broadcast_in_dim3A_46 = vector.shape_cast %reduce_max3A_45 : vector<64xf32> to vector<64x1xf32>
    %eq3A_47 = vector.broadcast %broadcast_in_dim3A_46 : vector<64x1xf32> to vector<64x6400xf32>
    %eq3A_48 = arith.cmpf oeq, %select_n3A_43, %eq3A_47 : vector<64x6400xf32>
    %jit3A_49 = arith.constant 6400 : i32
    %broadcast_in_dim3A_50 = vector.broadcast %jit3A_49 : i32 to vector<64x6400xi32>
    %select_n3A_51 = arith.select %eq3A_48, %iota3A, %broadcast_in_dim3A_50 : vector<64x6400xi1>, vector<64x6400xi32>
    %reduce_min3A_52 = arith.constant dense<2147483647> : vector<64xi32>
    %reduce_min3A_53 = vector.multi_reduction <minsi>, %select_n3A_51, %reduce_min3A_52 [1] : vector<64x6400xi32> to vector<64xi32>
    %broadcast_in_dim3A_54 = vector.shape_cast %reduce_min3A_53 : vector<64xi32> to vector<64x1xi32>
    %eq3A_55 = vector.broadcast %broadcast_in_dim3A_54 : vector<64x1xi32> to vector<64x6400xi32>
    %eq3A_56 = arith.cmpi eq, %iota3A, %eq3A_55 : vector<64x6400xi32>
    %jit3A_57 = arith.constant -3.000000e+38 : f32
    %broadcast_in_dim3A_58 = vector.broadcast %jit3A_57 : f32 to vector<64x6400xf32>
    %select_n3A_59 = arith.select %eq3A_56, %broadcast_in_dim3A_58, %select_n3A_43 : vector<64x6400xi1>, vector<64x6400xf32>
    %reduce_max3A_60 = arith.constant dense<0xFF800000> : vector<64xf32>
    %reduce_max3A_61 = vector.multi_reduction <maximumf>, %select_n3A_59, %reduce_max3A_60 [1] : vector<64x6400xf32> to vector<64xf32>
    %broadcast_in_dim3A_62 = vector.shape_cast %reduce_max3A_61 : vector<64xf32> to vector<64x1xf32>
    %eq3A_63 = vector.broadcast %broadcast_in_dim3A_62 : vector<64x1xf32> to vector<64x6400xf32>
    %eq3A_64 = arith.cmpf oeq, %select_n3A_59, %eq3A_63 : vector<64x6400xf32>
    %jit3A_65 = arith.constant 6400 : i32
    %broadcast_in_dim3A_66 = vector.broadcast %jit3A_65 : i32 to vector<64x6400xi32>
    %select_n3A_67 = arith.select %eq3A_64, %iota3A, %broadcast_in_dim3A_66 : vector<64x6400xi1>, vector<64x6400xi32>
    %reduce_min3A_68 = arith.constant dense<2147483647> : vector<64xi32>
    %reduce_min3A_69 = vector.multi_reduction <minsi>, %select_n3A_67, %reduce_min3A_68 [1] : vector<64x6400xi32> to vector<64xi32>
    %broadcast_in_dim3A_70 = vector.shape_cast %reduce_min3A_69 : vector<64xi32> to vector<64x1xi32>
    %eq3A_71 = vector.broadcast %broadcast_in_dim3A_70 : vector<64x1xi32> to vector<64x6400xi32>
    %eq3A_72 = arith.cmpi eq, %iota3A, %eq3A_71 : vector<64x6400xi32>
    %jit3A_73 = arith.constant -3.000000e+38 : f32
    %broadcast_in_dim3A_74 = vector.broadcast %jit3A_73 : f32 to vector<64x6400xf32>
    %select_n3A_75 = arith.select %eq3A_72, %broadcast_in_dim3A_74, %select_n3A_59 : vector<64x6400xi1>, vector<64x6400xf32>
    %reduce_max3A_76 = arith.constant dense<0xFF800000> : vector<64xf32>
    %reduce_max3A_77 = vector.multi_reduction <maximumf>, %select_n3A_75, %reduce_max3A_76 [1] : vector<64x6400xf32> to vector<64xf32>
    %broadcast_in_dim3A_78 = vector.shape_cast %reduce_max3A_77 : vector<64xf32> to vector<64x1xf32>
    %eq3A_79 = vector.broadcast %broadcast_in_dim3A_78 : vector<64x1xf32> to vector<64x6400xf32>
    %eq3A_80 = arith.cmpf oeq, %select_n3A_75, %eq3A_79 : vector<64x6400xf32>
    %jit3A_81 = arith.constant 6400 : i32
    %broadcast_in_dim3A_82 = vector.broadcast %jit3A_81 : i32 to vector<64x6400xi32>
    %select_n3A_83 = arith.select %eq3A_80, %iota3A, %broadcast_in_dim3A_82 : vector<64x6400xi1>, vector<64x6400xi32>
    %reduce_min3A_84 = arith.constant dense<2147483647> : vector<64xi32>
    %reduce_min3A_85 = vector.multi_reduction <minsi>, %select_n3A_83, %reduce_min3A_84 [1] : vector<64x6400xi32> to vector<64xi32>
    %broadcast_in_dim3A_86 = vector.shape_cast %reduce_min3A_85 : vector<64xi32> to vector<64x1xi32>
    %eq3A_87 = vector.broadcast %broadcast_in_dim3A_86 : vector<64x1xi32> to vector<64x6400xi32>
    %eq3A_88 = arith.cmpi eq, %iota3A, %eq3A_87 : vector<64x6400xi32>
    %jit3A_89 = arith.constant -3.000000e+38 : f32
    %broadcast_in_dim3A_90 = vector.broadcast %jit3A_89 : f32 to vector<64x6400xf32>
    %select_n3A_91 = arith.select %eq3A_88, %broadcast_in_dim3A_90, %select_n3A_75 : vector<64x6400xi1>, vector<64x6400xf32>
    %reduce_max3A_92 = arith.constant dense<0xFF800000> : vector<64xf32>
    %reduce_max3A_93 = vector.multi_reduction <maximumf>, %select_n3A_91, %reduce_max3A_92 [1] : vector<64x6400xf32> to vector<64xf32>
    %broadcast_in_dim3A_94 = vector.shape_cast %reduce_max3A_93 : vector<64xf32> to vector<64x1xf32>
    %eq3A_95 = vector.broadcast %broadcast_in_dim3A_94 : vector<64x1xf32> to vector<64x6400xf32>
    %eq3A_96 = arith.cmpf oeq, %select_n3A_91, %eq3A_95 : vector<64x6400xf32>
    %jit3A_97 = arith.constant 6400 : i32
    %broadcast_in_dim3A_98 = vector.broadcast %jit3A_97 : i32 to vector<64x6400xi32>
    %select_n3A_99 = arith.select %eq3A_96, %iota3A, %broadcast_in_dim3A_98 : vector<64x6400xi1>, vector<64x6400xi32>
    %reduce_min3A_100 = arith.constant dense<2147483647> : vector<64xi32>
    %reduce_min3A_101 = vector.multi_reduction <minsi>, %select_n3A_99, %reduce_min3A_100 [1] : vector<64x6400xi32> to vector<64xi32>
    %broadcast_in_dim3A_102 = vector.shape_cast %reduce_min3A_101 : vector<64xi32> to vector<64x1xi32>
    %eq3A_103 = vector.broadcast %broadcast_in_dim3A_102 : vector<64x1xi32> to vector<64x6400xi32>
    %eq3A_104 = arith.cmpi eq, %iota3A, %eq3A_103 : vector<64x6400xi32>
    %jit3A_105 = arith.constant -3.000000e+38 : f32
    %broadcast_in_dim3A_106 = vector.broadcast %jit3A_105 : f32 to vector<64x6400xf32>
    %select_n3A_107 = arith.select %eq3A_104, %broadcast_in_dim3A_106, %select_n3A_91 : vector<64x6400xi1>, vector<64x6400xf32>
    %reduce_max3A_108 = arith.constant dense<0xFF800000> : vector<64xf32>
    %reduce_max3A_109 = vector.multi_reduction <maximumf>, %select_n3A_107, %reduce_max3A_108 [1] : vector<64x6400xf32> to vector<64xf32>
    %broadcast_in_dim3A_110 = vector.shape_cast %reduce_max3A_109 : vector<64xf32> to vector<64x1xf32>
    %eq3A_111 = vector.broadcast %broadcast_in_dim3A_110 : vector<64x1xf32> to vector<64x6400xf32>
    %eq3A_112 = arith.cmpf oeq, %select_n3A_107, %eq3A_111 : vector<64x6400xf32>
    %jit3A_113 = arith.constant 6400 : i32
    %broadcast_in_dim3A_114 = vector.broadcast %jit3A_113 : i32 to vector<64x6400xi32>
    %select_n3A_115 = arith.select %eq3A_112, %iota3A, %broadcast_in_dim3A_114 : vector<64x6400xi1>, vector<64x6400xi32>
    %reduce_min3A_116 = arith.constant dense<2147483647> : vector<64xi32>
    %reduce_min3A_117 = vector.multi_reduction <minsi>, %select_n3A_115, %reduce_min3A_116 [1] : vector<64x6400xi32> to vector<64xi32>
    %broadcast_in_dim3A_118 = vector.shape_cast %reduce_min3A_117 : vector<64xi32> to vector<64x1xi32>
    %eq3A_119 = vector.broadcast %broadcast_in_dim3A_118 : vector<64x1xi32> to vector<64x6400xi32>
    %eq3A_120 = arith.cmpi eq, %iota3A, %eq3A_119 : vector<64x6400xi32>
    %jit3A_121 = arith.constant -3.000000e+38 : f32
    %broadcast_in_dim3A_122 = vector.broadcast %jit3A_121 : f32 to vector<64x6400xf32>
    %select_n3A_123 = arith.select %eq3A_120, %broadcast_in_dim3A_122, %select_n3A_107 : vector<64x6400xi1>, vector<64x6400xf32>
    %reduce_max3A_124 = arith.constant dense<0xFF800000> : vector<64xf32>
    %reduce_max3A_125 = vector.multi_reduction <maximumf>, %select_n3A_123, %reduce_max3A_124 [1] : vector<64x6400xf32> to vector<64xf32>
    %broadcast_in_dim3A_126 = vector.shape_cast %reduce_max3A_125 : vector<64xf32> to vector<64x1xf32>
    %eq3A_127 = vector.broadcast %broadcast_in_dim3A_126 : vector<64x1xf32> to vector<64x6400xf32>
    %eq3A_128 = arith.cmpf oeq, %select_n3A_123, %eq3A_127 : vector<64x6400xf32>
    %jit3A_129 = arith.constant 6400 : i32
    %broadcast_in_dim3A_130 = vector.broadcast %jit3A_129 : i32 to vector<64x6400xi32>
    %select_n3A_131 = arith.select %eq3A_128, %iota3A, %broadcast_in_dim3A_130 : vector<64x6400xi1>, vector<64x6400xi32>
    %reduce_min3A_132 = arith.constant dense<2147483647> : vector<64xi32>
    %reduce_min3A_133 = vector.multi_reduction <minsi>, %select_n3A_131, %reduce_min3A_132 [1] : vector<64x6400xi32> to vector<64xi32>
    %broadcast_in_dim3A_134 = vector.shape_cast %reduce_min3A_133 : vector<64xi32> to vector<64x1xi32>
    %eq3A_135 = vector.broadcast %broadcast_in_dim3A_134 : vector<64x1xi32> to vector<64x6400xi32>
    %eq3A_136 = arith.cmpi eq, %iota3A, %eq3A_135 : vector<64x6400xi32>
    %jit3A_137 = arith.constant -3.000000e+38 : f32
    %broadcast_in_dim3A_138 = vector.broadcast %jit3A_137 : f32 to vector<64x6400xf32>
    %select_n3A_139 = arith.select %eq3A_136, %broadcast_in_dim3A_138, %select_n3A_123 : vector<64x6400xi1>, vector<64x6400xf32>
    %reduce_max3A_140 = arith.constant dense<0xFF800000> : vector<64xf32>
    %reduce_max3A_141 = vector.multi_reduction <maximumf>, %select_n3A_139, %reduce_max3A_140 [1] : vector<64x6400xf32> to vector<64xf32>
    %broadcast_in_dim3A_142 = vector.shape_cast %reduce_max3A_141 : vector<64xf32> to vector<64x1xf32>
    %eq3A_143 = vector.broadcast %broadcast_in_dim3A_142 : vector<64x1xf32> to vector<64x6400xf32>
    %eq3A_144 = arith.cmpf oeq, %select_n3A_139, %eq3A_143 : vector<64x6400xf32>
    %jit3A_145 = arith.constant 6400 : i32
    %broadcast_in_dim3A_146 = vector.broadcast %jit3A_145 : i32 to vector<64x6400xi32>
    %select_n3A_147 = arith.select %eq3A_144, %iota3A, %broadcast_in_dim3A_146 : vector<64x6400xi1>, vector<64x6400xi32>
    %reduce_min3A_148 = arith.constant dense<2147483647> : vector<64xi32>
    %reduce_min3A_149 = vector.multi_reduction <minsi>, %select_n3A_147, %reduce_min3A_148 [1] : vector<64x6400xi32> to vector<64xi32>
    %broadcast_in_dim3A_150 = vector.shape_cast %reduce_min3A_149 : vector<64xi32> to vector<64x1xi32>
    %eq3A_151 = vector.broadcast %broadcast_in_dim3A_150 : vector<64x1xi32> to vector<64x6400xi32>
    %eq3A_152 = arith.cmpi eq, %iota3A, %eq3A_151 : vector<64x6400xi32>
    %jit3A_153 = arith.constant -3.000000e+38 : f32
    %broadcast_in_dim3A_154 = vector.broadcast %jit3A_153 : f32 to vector<64x6400xf32>
    %select_n3A_155 = arith.select %eq3A_152, %broadcast_in_dim3A_154, %select_n3A_139 : vector<64x6400xi1>, vector<64x6400xf32>
    %reduce_max3A_156 = arith.constant dense<0xFF800000> : vector<64xf32>
    %reduce_max3A_157 = vector.multi_reduction <maximumf>, %select_n3A_155, %reduce_max3A_156 [1] : vector<64x6400xf32> to vector<64xf32>
    %broadcast_in_dim3A_158 = vector.shape_cast %reduce_max3A_157 : vector<64xf32> to vector<64x1xf32>
    %eq3A_159 = vector.broadcast %broadcast_in_dim3A_158 : vector<64x1xf32> to vector<64x6400xf32>
    %eq3A_160 = arith.cmpf oeq, %select_n3A_155, %eq3A_159 : vector<64x6400xf32>
    %jit3A_161 = arith.constant 6400 : i32
    %broadcast_in_dim3A_162 = vector.broadcast %jit3A_161 : i32 to vector<64x6400xi32>
    %select_n3A_163 = arith.select %eq3A_160, %iota3A, %broadcast_in_dim3A_162 : vector<64x6400xi1>, vector<64x6400xi32>
    %reduce_min3A_164 = arith.constant dense<2147483647> : vector<64xi32>
    %reduce_min3A_165 = vector.multi_reduction <minsi>, %select_n3A_163, %reduce_min3A_164 [1] : vector<64x6400xi32> to vector<64xi32>
    %broadcast_in_dim3A_166 = vector.shape_cast %reduce_min3A_165 : vector<64xi32> to vector<64x1xi32>
    %eq3A_167 = vector.broadcast %broadcast_in_dim3A_166 : vector<64x1xi32> to vector<64x6400xi32>
    %eq3A_168 = arith.cmpi eq, %iota3A, %eq3A_167 : vector<64x6400xi32>
    %jit3A_169 = arith.constant -3.000000e+38 : f32
    %broadcast_in_dim3A_170 = vector.broadcast %jit3A_169 : f32 to vector<64x6400xf32>
    %select_n3A_171 = arith.select %eq3A_168, %broadcast_in_dim3A_170, %select_n3A_155 : vector<64x6400xi1>, vector<64x6400xf32>
    %reduce_max3A_172 = arith.constant dense<0xFF800000> : vector<64xf32>
    %reduce_max3A_173 = vector.multi_reduction <maximumf>, %select_n3A_171, %reduce_max3A_172 [1] : vector<64x6400xf32> to vector<64xf32>
    %broadcast_in_dim3A_174 = vector.shape_cast %reduce_max3A_173 : vector<64xf32> to vector<64x1xf32>
    %eq3A_175 = vector.broadcast %broadcast_in_dim3A_174 : vector<64x1xf32> to vector<64x6400xf32>
    %eq3A_176 = arith.cmpf oeq, %select_n3A_171, %eq3A_175 : vector<64x6400xf32>
    %jit3A_177 = arith.constant 6400 : i32
    %broadcast_in_dim3A_178 = vector.broadcast %jit3A_177 : i32 to vector<64x6400xi32>
    %select_n3A_179 = arith.select %eq3A_176, %iota3A, %broadcast_in_dim3A_178 : vector<64x6400xi1>, vector<64x6400xi32>
    %reduce_min3A_180 = arith.constant dense<2147483647> : vector<64xi32>
    %reduce_min3A_181 = vector.multi_reduction <minsi>, %select_n3A_179, %reduce_min3A_180 [1] : vector<64x6400xi32> to vector<64xi32>
    %broadcast_in_dim3A_182 = vector.shape_cast %reduce_min3A_181 : vector<64xi32> to vector<64x1xi32>
    %eq3A_183 = vector.broadcast %broadcast_in_dim3A_182 : vector<64x1xi32> to vector<64x6400xi32>
    %eq3A_184 = arith.cmpi eq, %iota3A, %eq3A_183 : vector<64x6400xi32>
    %jit3A_185 = arith.constant -3.000000e+38 : f32
    %broadcast_in_dim3A_186 = vector.broadcast %jit3A_185 : f32 to vector<64x6400xf32>
    %select_n3A_187 = arith.select %eq3A_184, %broadcast_in_dim3A_186, %select_n3A_171 : vector<64x6400xi1>, vector<64x6400xf32>
    %reduce_max3A_188 = arith.constant dense<0xFF800000> : vector<64xf32>
    %reduce_max3A_189 = vector.multi_reduction <maximumf>, %select_n3A_187, %reduce_max3A_188 [1] : vector<64x6400xf32> to vector<64xf32>
    %broadcast_in_dim3A_190 = vector.shape_cast %reduce_max3A_189 : vector<64xf32> to vector<64x1xf32>
    %eq3A_191 = vector.broadcast %broadcast_in_dim3A_190 : vector<64x1xf32> to vector<64x6400xf32>
    %eq3A_192 = arith.cmpf oeq, %select_n3A_187, %eq3A_191 : vector<64x6400xf32>
    %jit3A_193 = arith.constant 6400 : i32
    %broadcast_in_dim3A_194 = vector.broadcast %jit3A_193 : i32 to vector<64x6400xi32>
    %select_n3A_195 = arith.select %eq3A_192, %iota3A, %broadcast_in_dim3A_194 : vector<64x6400xi1>, vector<64x6400xi32>
    %reduce_min3A_196 = arith.constant dense<2147483647> : vector<64xi32>
    %reduce_min3A_197 = vector.multi_reduction <minsi>, %select_n3A_195, %reduce_min3A_196 [1] : vector<64x6400xi32> to vector<64xi32>
    %broadcast_in_dim3A_198 = vector.shape_cast %reduce_min3A_197 : vector<64xi32> to vector<64x1xi32>
    %eq3A_199 = vector.broadcast %broadcast_in_dim3A_198 : vector<64x1xi32> to vector<64x6400xi32>
    %eq3A_200 = arith.cmpi eq, %iota3A, %eq3A_199 : vector<64x6400xi32>
    %jit3A_201 = arith.constant -3.000000e+38 : f32
    %broadcast_in_dim3A_202 = vector.broadcast %jit3A_201 : f32 to vector<64x6400xf32>
    %select_n3A_203 = arith.select %eq3A_200, %broadcast_in_dim3A_202, %select_n3A_187 : vector<64x6400xi1>, vector<64x6400xf32>
    %reduce_max3A_204 = arith.constant dense<0xFF800000> : vector<64xf32>
    %reduce_max3A_205 = vector.multi_reduction <maximumf>, %select_n3A_203, %reduce_max3A_204 [1] : vector<64x6400xf32> to vector<64xf32>
    %broadcast_in_dim3A_206 = vector.shape_cast %reduce_max3A_205 : vector<64xf32> to vector<64x1xf32>
    %eq3A_207 = vector.broadcast %broadcast_in_dim3A_206 : vector<64x1xf32> to vector<64x6400xf32>
    %eq3A_208 = arith.cmpf oeq, %select_n3A_203, %eq3A_207 : vector<64x6400xf32>
    %jit3A_209 = arith.constant 6400 : i32
    %broadcast_in_dim3A_210 = vector.broadcast %jit3A_209 : i32 to vector<64x6400xi32>
    %select_n3A_211 = arith.select %eq3A_208, %iota3A, %broadcast_in_dim3A_210 : vector<64x6400xi1>, vector<64x6400xi32>
    %reduce_min3A_212 = arith.constant dense<2147483647> : vector<64xi32>
    %reduce_min3A_213 = vector.multi_reduction <minsi>, %select_n3A_211, %reduce_min3A_212 [1] : vector<64x6400xi32> to vector<64xi32>
    %broadcast_in_dim3A_214 = vector.shape_cast %reduce_min3A_213 : vector<64xi32> to vector<64x1xi32>
    %eq3A_215 = vector.broadcast %broadcast_in_dim3A_214 : vector<64x1xi32> to vector<64x6400xi32>
    %eq3A_216 = arith.cmpi eq, %iota3A, %eq3A_215 : vector<64x6400xi32>
    %jit3A_217 = arith.constant -3.000000e+38 : f32
    %broadcast_in_dim3A_218 = vector.broadcast %jit3A_217 : f32 to vector<64x6400xf32>
    %select_n3A_219 = arith.select %eq3A_216, %broadcast_in_dim3A_218, %select_n3A_203 : vector<64x6400xi1>, vector<64x6400xf32>
    %reduce_max3A_220 = arith.constant dense<0xFF800000> : vector<64xf32>
    %reduce_max3A_221 = vector.multi_reduction <maximumf>, %select_n3A_219, %reduce_max3A_220 [1] : vector<64x6400xf32> to vector<64xf32>
    %broadcast_in_dim3A_222 = vector.shape_cast %reduce_max3A_221 : vector<64xf32> to vector<64x1xf32>
    %eq3A_223 = vector.broadcast %broadcast_in_dim3A_222 : vector<64x1xf32> to vector<64x6400xf32>
    %eq3A_224 = arith.cmpf oeq, %select_n3A_219, %eq3A_223 : vector<64x6400xf32>
    %jit3A_225 = arith.constant 6400 : i32
    %broadcast_in_dim3A_226 = vector.broadcast %jit3A_225 : i32 to vector<64x6400xi32>
    %select_n3A_227 = arith.select %eq3A_224, %iota3A, %broadcast_in_dim3A_226 : vector<64x6400xi1>, vector<64x6400xi32>
    %reduce_min3A_228 = arith.constant dense<2147483647> : vector<64xi32>
    %reduce_min3A_229 = vector.multi_reduction <minsi>, %select_n3A_227, %reduce_min3A_228 [1] : vector<64x6400xi32> to vector<64xi32>
    %broadcast_in_dim3A_230 = vector.shape_cast %reduce_min3A_229 : vector<64xi32> to vector<64x1xi32>
    %eq3A_231 = vector.broadcast %broadcast_in_dim3A_230 : vector<64x1xi32> to vector<64x6400xi32>
    %eq3A_232 = arith.cmpi eq, %iota3A, %eq3A_231 : vector<64x6400xi32>
    %jit3A_233 = arith.constant -3.000000e+38 : f32
    %broadcast_in_dim3A_234 = vector.broadcast %jit3A_233 : f32 to vector<64x6400xf32>
    %select_n3A_235 = arith.select %eq3A_232, %broadcast_in_dim3A_234, %select_n3A_219 : vector<64x6400xi1>, vector<64x6400xf32>
    %reduce_max3A_236 = arith.constant dense<0xFF800000> : vector<64xf32>
    %reduce_max3A_237 = vector.multi_reduction <maximumf>, %select_n3A_235, %reduce_max3A_236 [1] : vector<64x6400xf32> to vector<64xf32>
    %broadcast_in_dim3A_238 = vector.shape_cast %reduce_max3A_237 : vector<64xf32> to vector<64x1xf32>
    %eq3A_239 = vector.broadcast %broadcast_in_dim3A_238 : vector<64x1xf32> to vector<64x6400xf32>
    %eq3A_240 = arith.cmpf oeq, %select_n3A_235, %eq3A_239 : vector<64x6400xf32>
    %jit3A_241 = arith.constant 6400 : i32
    %broadcast_in_dim3A_242 = vector.broadcast %jit3A_241 : i32 to vector<64x6400xi32>
    %select_n3A_243 = arith.select %eq3A_240, %iota3A, %broadcast_in_dim3A_242 : vector<64x6400xi1>, vector<64x6400xi32>
    %reduce_min3A_244 = arith.constant dense<2147483647> : vector<64xi32>
    %reduce_min3A_245 = vector.multi_reduction <minsi>, %select_n3A_243, %reduce_min3A_244 [1] : vector<64x6400xi32> to vector<64xi32>
    %broadcast_in_dim3A_246 = vector.shape_cast %reduce_min3A_245 : vector<64xi32> to vector<64x1xi32>
    %concatenate3A = tpu.concatenate %broadcast_in_dim3A_6, %broadcast_in_dim3A_22, %broadcast_in_dim3A_38, %broadcast_in_dim3A_54, %broadcast_in_dim3A_70, %broadcast_in_dim3A_86, %broadcast_in_dim3A_102, %broadcast_in_dim3A_118, %broadcast_in_dim3A_134, %broadcast_in_dim3A_150, %broadcast_in_dim3A_166, %broadcast_in_dim3A_182, %broadcast_in_dim3A_198, %broadcast_in_dim3A_214, %broadcast_in_dim3A_230, %broadcast_in_dim3A_246 in 1 : vector<64x1xi32>, vector<64x1xi32>, vector<64x1xi32>, vector<64x1xi32>, vector<64x1xi32>, vector<64x1xi32>, vector<64x1xi32>, vector<64x1xi32>, vector<64x1xi32>, vector<64x1xi32>, vector<64x1xi32>, vector<64x1xi32>, vector<64x1xi32>, vector<64x1xi32>, vector<64x1xi32>, vector<64x1xi32> -> vector<64x16xi32>
    %jit3A_247 = arith.constant 128 : i32
    %div3A = vector.broadcast %jit3A_247 : i32 to vector<64x16xi32>
    %div3A_248 = arith.divsi %concatenate3A, %div3A : vector<64x16xi32>
    %sign3A = arith.constant 0 : i32
    %sign3A_249 = vector.broadcast %sign3A : i32 to vector<64x16xi32>
    %sign3A_250 = arith.cmpi sgt, %concatenate3A, %sign3A_249 : vector<64x16xi32>
    %sign3A_251 = arith.extui %sign3A_250 : vector<64x16xi1> to vector<64x16xi32>
    %sign3A_252 = arith.constant 0 : i32
    %sign3A_253 = vector.broadcast %sign3A_252 : i32 to vector<64x16xi32>
    %sign3A_254 = arith.cmpi slt, %concatenate3A, %sign3A_253 : vector<64x16xi32>
    %sign3A_255 = arith.extui %sign3A_254 : vector<64x16xi1> to vector<64x16xi32>
    %sign3A_256 = arith.subi %sign3A_251, %sign3A_255 : vector<64x16xi32>
    %sign3A_257 = arith.constant 0 : i32
    %sign3A_258 = arith.cmpi sgt, %jit3A_247, %sign3A_257 : i32
    %sign3A_259 = arith.extui %sign3A_258 : i1 to i32
    %sign3A_260 = arith.constant 0 : i32
    %sign3A_261 = arith.cmpi slt, %jit3A_247, %sign3A_260 : i32
    %sign3A_262 = arith.extui %sign3A_261 : i1 to i32
    %sign3A_263 = arith.subi %sign3A_259, %sign3A_262 : i32
    %ne3A = vector.broadcast %sign3A_263 : i32 to vector<64x16xi32>
    %ne3A_264 = arith.cmpi ne, %sign3A_256, %ne3A : vector<64x16xi32>
    %rem3A = vector.broadcast %jit3A_247 : i32 to vector<64x16xi32>
    %rem3A_265 = arith.remsi %concatenate3A, %rem3A : vector<64x16xi32>
    %ne3A_266 = arith.constant 0 : i32
    %ne3A_267 = vector.broadcast %ne3A_266 : i32 to vector<64x16xi32>
    %ne3A_268 = arith.cmpi ne, %rem3A_265, %ne3A_267 : vector<64x16xi32>
    %and3A = arith.andi %ne3A_264, %ne3A_268 : vector<64x16xi1>
    %sub3A = arith.constant 1 : i32
    %sub3A_269 = vector.broadcast %sub3A : i32 to vector<64x16xi32>
    %sub3A_270 = arith.subi %div3A_248, %sub3A_269 : vector<64x16xi32>
    %select_n3A_271 = arith.select %and3A, %sub3A_270, %div3A_248 : vector<64x16xi1>, vector<64x16xi32>
    %mul3A = arith.constant 2048 : i32
    %mul3A_272 = vector.broadcast %mul3A : i32 to vector<64x16xi32>
    %mul3A_273 = arith.muli %select_n3A_271, %mul3A_272 : vector<64x16xi32>
    %jit3A_274 = arith.constant 128 : i32
    %eq3A_275 = arith.constant 0 : i32
    %eq3A_276 = arith.cmpi eq, %jit3A_274, %eq3A_275 : i32
    %jit3A_277 = arith.constant 1 : i32
    %select_n3A_278 = arith.select %eq3A_276, %jit3A_277, %jit3A_274 : i32
    %rem3A_279 = vector.broadcast %select_n3A_278 : i32 to vector<64x16xi32>
    %rem3A_280 = arith.remsi %concatenate3A, %rem3A_279 : vector<64x16xi32>
    %ne3A_281 = arith.constant 0 : i32
    %ne3A_282 = vector.broadcast %ne3A_281 : i32 to vector<64x16xi32>
    %ne3A_283 = arith.cmpi ne, %rem3A_280, %ne3A_282 : vector<64x16xi32>
    %lt3A = arith.constant 0 : i32
    %lt3A_284 = vector.broadcast %lt3A : i32 to vector<64x16xi32>
    %lt3A_285 = arith.cmpi slt, %rem3A_280, %lt3A_284 : vector<64x16xi32>
    %lt3A_286 = arith.constant 0 : i32
    %lt3A_287 = arith.cmpi slt, %select_n3A_278, %lt3A_286 : i32
    %ne3A_288 = vector.broadcast %lt3A_287 : i1 to vector<64x16xi1>
    %ne3A_289 = vector.broadcast %ne3A_288 : vector<64x16xi1> to vector<64x16xi1>
    %ne3A_290 = arith.xori %lt3A_285, %ne3A_289 : vector<64x16xi1>
    %and3A_291 = arith.andi %ne3A_290, %ne3A_283 : vector<64x16xi1>
    %add3A = vector.broadcast %select_n3A_278 : i32 to vector<64x16xi32>
    %add3A_292 = arith.addi %rem3A_280, %add3A : vector<64x16xi32>
    %select_n3A_293 = arith.select %and3A_291, %add3A_292, %rem3A_280 : vector<64x16xi1>, vector<64x16xi32>
    %add3A_294 = arith.addi %mul3A_273, %select_n3A_293 : vector<64x16xi32>
    %iota3A_295 = tpu.iota {dimensions = array<i32: 1>} : vector<64x2x16x8xi32>
    %iota3A_296 = tpu.iota {dimensions = array<i32: 3>} : vector<64x2x16x8xi32>
    %broadcast_in_dim3A_297 = vector.shape_cast %add3A_294 : vector<64x16xi32> to vector<64x1x16x1xi32>
    %mul3A_298 = arith.constant 2 : i32
    %mul3A_299 = vector.broadcast %mul3A_298 : i32 to vector<64x2x16x8xi32>
    %mul3A_300 = arith.muli %mul3A_299, %iota3A_296 : vector<64x2x16x8xi32>
    %add3A_301 = arith.addi %mul3A_300, %iota3A_295 : vector<64x2x16x8xi32>
    %mul3A_302 = arith.constant 128 : i32
    %mul3A_303 = vector.broadcast %mul3A_302 : i32 to vector<64x2x16x8xi32>
    %mul3A_304 = arith.muli %add3A_301, %mul3A_303 : vector<64x2x16x8xi32>
    %add3A_305 = vector.broadcast %broadcast_in_dim3A_297 : vector<64x1x16x1xi32> to vector<64x2x16x8xi32>
    %add3A_306 = arith.addi %add3A_305, %mul3A_304 : vector<64x2x16x8xi32>
    %swap3A = arith.constant 0 : index
    %swap3A_307 = arith.constant 0 : index
    %swap3A_308 = arith.constant 0 : index
    %swap3A_309 = arith.constant 0 : index
    %swap3A_310 = vector.load %arg2[%swap3A, %swap3A_307, %swap3A_308, %swap3A_309] : memref<64x2x16x8xi32, #tpu.memory_space<vmem>>, vector<64x2x16x8xi32>
    tpu.vector_store %arg2[%swap3A, %swap3A_307, %swap3A_308, %swap3A_309], %add3A_306 {strides = array<i32>} : memref<64x2x16x8xi32, #tpu.memory_space<vmem>>, vector<64x2x16x8xi32>,
    %jit3A_311 = arith.constant 128 : i32
    %div3A_312 = vector.broadcast %jit3A_311 : i32 to vector<64x16xi32>
    %div3A_313 = arith.divsi %concatenate3A, %div3A_312 : vector<64x16xi32>
    %sign3A_314 = arith.constant 0 : i32
    %sign3A_315 = vector.broadcast %sign3A_314 : i32 to vector<64x16xi32>
    %sign3A_316 = arith.cmpi sgt, %concatenate3A, %sign3A_315 : vector<64x16xi32>
    %sign3A_317 = arith.extui %sign3A_316 : vector<64x16xi1> to vector<64x16xi32>
    %sign3A_318 = arith.constant 0 : i32
    %sign3A_319 = vector.broadcast %sign3A_318 : i32 to vector<64x16xi32>
    %sign3A_320 = arith.cmpi slt, %concatenate3A, %sign3A_319 : vector<64x16xi32>
    %sign3A_321 = arith.extui %sign3A_320 : vector<64x16xi1> to vector<64x16xi32>
    %sign3A_322 = arith.subi %sign3A_317, %sign3A_321 : vector<64x16xi32>
    %sign3A_323 = arith.constant 0 : i32
    %sign3A_324 = arith.cmpi sgt, %jit3A_311, %sign3A_323 : i32
    %sign3A_325 = arith.extui %sign3A_324 : i1 to i32
    %sign3A_326 = arith.constant 0 : i32
    %sign3A_327 = arith.cmpi slt, %jit3A_311, %sign3A_326 : i32
    %sign3A_328 = arith.extui %sign3A_327 : i1 to i32
    %sign3A_329 = arith.subi %sign3A_325, %sign3A_328 : i32
    %ne3A_330 = vector.broadcast %sign3A_329 : i32 to vector<64x16xi32>
    %ne3A_331 = arith.cmpi ne, %sign3A_322, %ne3A_330 : vector<64x16xi32>
    %rem3A_332 = vector.broadcast %jit3A_311 : i32 to vector<64x16xi32>
    %rem3A_333 = arith.remsi %concatenate3A, %rem3A_332 : vector<64x16xi32>
    %ne3A_334 = arith.constant 0 : i32
    %ne3A_335 = vector.broadcast %ne3A_334 : i32 to vector<64x16xi32>
    %ne3A_336 = arith.cmpi ne, %rem3A_333, %ne3A_335 : vector<64x16xi32>
    %and3A_337 = arith.andi %ne3A_331, %ne3A_336 : vector<64x16xi1>
    %sub3A_338 = arith.constant 1 : i32
    %sub3A_339 = vector.broadcast %sub3A_338 : i32 to vector<64x16xi32>
    %sub3A_340 = arith.subi %div3A_313, %sub3A_339 : vector<64x16xi32>
    %select_n3A_341 = arith.select %and3A_337, %sub3A_340, %div3A_313 : vector<64x16xi1>, vector<64x16xi32>
    %mul3A_342 = arith.constant 1024 : i32
    %mul3A_343 = vector.broadcast %mul3A_342 : i32 to vector<64x16xi32>
    %mul3A_344 = arith.muli %select_n3A_341, %mul3A_343 : vector<64x16xi32>
    %jit3A_345 = arith.constant 128 : i32
    %eq3A_346 = arith.constant 0 : i32
    %eq3A_347 = arith.cmpi eq, %jit3A_345, %eq3A_346 : i32
    %jit3A_348 = arith.constant 1 : i32
    %select_n3A_349 = arith.select %eq3A_347, %jit3A_348, %jit3A_345 : i32
    %rem3A_350 = vector.broadcast %select_n3A_349 : i32 to vector<64x16xi32>
    %rem3A_351 = arith.remsi %concatenate3A, %rem3A_350 : vector<64x16xi32>
    %ne3A_352 = arith.constant 0 : i32
    %ne3A_353 = vector.broadcast %ne3A_352 : i32 to vector<64x16xi32>
    %ne3A_354 = arith.cmpi ne, %rem3A_351, %ne3A_353 : vector<64x16xi32>
    %lt3A_355 = arith.constant 0 : i32
    %lt3A_356 = vector.broadcast %lt3A_355 : i32 to vector<64x16xi32>
    %lt3A_357 = arith.cmpi slt, %rem3A_351, %lt3A_356 : vector<64x16xi32>
    %lt3A_358 = arith.constant 0 : i32
    %lt3A_359 = arith.cmpi slt, %select_n3A_349, %lt3A_358 : i32
    %ne3A_360 = vector.broadcast %lt3A_359 : i1 to vector<64x16xi1>
    %ne3A_361 = vector.broadcast %ne3A_360 : vector<64x16xi1> to vector<64x16xi1>
    %ne3A_362 = arith.xori %lt3A_357, %ne3A_361 : vector<64x16xi1>
    %and3A_363 = arith.andi %ne3A_362, %ne3A_354 : vector<64x16xi1>
    %add3A_364 = vector.broadcast %select_n3A_349 : i32 to vector<64x16xi32>
    %add3A_365 = arith.addi %rem3A_351, %add3A_364 : vector<64x16xi32>
    %select_n3A_366 = arith.select %and3A_363, %add3A_365, %rem3A_351 : vector<64x16xi1>, vector<64x16xi32>
    %add3A_367 = arith.addi %mul3A_344, %select_n3A_366 : vector<64x16xi32>
    %broadcast_in_dim3A_368 = vector.shape_cast %add3A_367 : vector<64x16xi32> to vector<64x16x1xi32>
    %slice3A = vector.extract_strided_slice %iota3A_296 {offsets = [0, 0, 0, 0], sizes = [64, 1, 16, 8], strides = [1, 1, 1, 1]} : vector<64x2x16x8xi32> to vector<64x1x16x8xi32>
    %squeeze3A = vector.shape_cast %slice3A : vector<64x1x16x8xi32> to vector<64x16x8xi32>
    %mul3A_369 = arith.constant 128 : i32
    %mul3A_370 = vector.broadcast %mul3A_369 : i32 to vector<64x16x8xi32>
    %mul3A_371 = arith.muli %squeeze3A, %mul3A_370 : vector<64x16x8xi32>
    %add3A_372 = vector.broadcast %broadcast_in_dim3A_368 : vector<64x16x1xi32> to vector<64x16x8xi32>
    %add3A_373 = arith.addi %add3A_372, %mul3A_371 : vector<64x16x8xi32>
    %swap3A_374 = arith.constant 0 : index
    %swap3A_375 = arith.constant 0 : index
    %swap3A_376 = arith.constant 0 : index
    %swap3A_377 = vector.load %arg3[%swap3A_374, %swap3A_375, %swap3A_376] : memref<64x16x8xi32, #tpu.memory_space<vmem>>, vector<64x16x8xi32>
    tpu.vector_store %arg3[%swap3A_374, %swap3A_375, %swap3A_376], %add3A_373 {strides = array<i32>} : memref<64x16x8xi32, #tpu.memory_space<vmem>>, vector<64x16x8xi32>,
    return
  }
  func.func @transform_0(%arg0: i32) -> (i32, i32) {
    %c0_i32 = arith.constant 0 : i32
    %c0_i32_0 = arith.constant 0 : i32
    return %arg0, %c0_i32 : i32, i32
  }
  func.func @transform_1(%arg0: i32) -> (i32, i32, i32, i32) {
    %c0_i32 = arith.constant 0 : i32
    %c0_i32_0 = arith.constant 0 : i32
    %c0_i32_1 = arith.constant 0 : i32
    %c0_i32_2 = arith.constant 0 : i32
    return %arg0, %c0_i32, %c0_i32_0, %c0_i32_1 : i32, i32, i32, i32
  }
  func.func @transform_2(%arg0: i32) -> (i32, i32, i32) {
    %c0_i32 = arith.constant 0 : i32
    %c0_i32_0 = arith.constant 0 : i32
    %c0_i32_1 = arith.constant 0 : i32
    return %arg0, %c0_i32, %c0_i32_0 : i32, i32, i32
  }
}

module attributes {stable_mosaic.version = 14 : i64} {
  func.func @_stage_d_body(%arg0: i32, %arg1: memref<8192x128xf32, #tpu.memory_space<vmem>>, %arg2: memref<64x256xf32, #tpu.memory_space<vmem>>, %arg3: memref<64x64xf32, #tpu.memory_space<vmem>>, %arg4: memref<64x256xi32, #tpu.memory_space<vmem>>, %arg5: memref<64x16xf32, #tpu.memory_space<vmem>>, %arg6: memref<64x16xi32, #tpu.memory_space<vmem>>) attributes {dimension_semantics = [#tpu.dimension_semantics<arbitrary>], iteration_bounds = array<i64: 16>, scalar_prefetch = 0 : i64, scratch_operands = 0 : i64, tpu.core_type = #tpu.core_type<tc>, window_params = [{transform_indices = @transform_0, window_bounds = array<i64: 8192, 128>}, {transform_indices = @transform_1, window_bounds = array<i64: 64, 256>}, {transform_indices = @transform_2, window_bounds = array<i64: 64, 64>}, {transform_indices = @transform_3, window_bounds = array<i64: 64, 256>}, {transform_indices = @transform_4, window_bounds = array<i64: 64, 16>}, {transform_indices = @transform_5, window_bounds = array<i64: 64, 16>}]} {
    %get3A = arith.constant 0 : index
    %get3A_0 = arith.constant 0 : index
    %get3A_1 = vector.load %arg1[%get3A, %get3A_0] : memref<8192x128xf32, #tpu.memory_space<vmem>>, vector<8192x128xf32>
    %get3A_2 = arith.constant 0 : index
    %get3A_3 = arith.constant 0 : index
    %get3A_4 = vector.load %arg3[%get3A_2, %get3A_3] : memref<64x64xf32, #tpu.memory_space<vmem>>, vector<64x64xf32>
    %iota3A = tpu.iota {dimensions = array<i32: 0>} : vector<64x64x128xi32>
    %iota3A_5 = tpu.iota {dimensions = array<i32: 1>} : vector<64x64x128xi32>
    %slice3A = vector.extract_strided_slice %get3A_1 {offsets = [0, 0], sizes = [8192, 64], strides = [1, 1]} : vector<8192x128xf32> to vector<8192x64xf32>
    %dot_general3A = arith.constant dense<0.000000e+00> : vector<64x8192xf32>
    %dot_general3A_6 = tpu.matmul %get3A_4, %slice3A, %dot_general3A {dimension_numbers = #tpu.dot_dimension_numbers<[1], [1], [0], [0], [0, 0, 1, 0], [], []>, transpose_lhs_hint = false} : vector<64x64xf32>, vector<8192x64xf32>, vector<64x8192xf32> -> vector<64x8192xf32>
    %reshape3A = vector.shape_cast %dot_general3A_6 : vector<64x8192xf32> to vector<64x64x128xf32>
    %eq3A = arith.cmpi eq, %iota3A, %iota3A_5 : vector<64x64x128xi32>
    %jit3A = arith.constant 0.000000e+00 : f32
    %broadcast_in_dim3A = vector.broadcast %jit3A : f32 to vector<64x64x128xf32>
    %select_n3A = arith.select %eq3A, %reshape3A, %broadcast_in_dim3A : vector<64x64x128xi1>, vector<64x64x128xf32>
    %reduce_sum3A = arith.constant dense<0.000000e+00> : vector<64x128xf32>
    %reduce_sum3A_7 = vector.multi_reduction <add>, %select_n3A, %reduce_sum3A [1] : vector<64x64x128xf32> to vector<64x128xf32>
    %slice3A_8 = vector.extract_strided_slice %get3A_1 {offsets = [0, 64], sizes = [8192, 64], strides = [1, 1]} : vector<8192x128xf32> to vector<8192x64xf32>
    %dot_general3A_9 = arith.constant dense<0.000000e+00> : vector<64x8192xf32>
    %dot_general3A_10 = tpu.matmul %get3A_4, %slice3A_8, %dot_general3A_9 {dimension_numbers = #tpu.dot_dimension_numbers<[1], [1], [0], [0], [0, 0, 1, 0], [], []>, transpose_lhs_hint = false} : vector<64x64xf32>, vector<8192x64xf32>, vector<64x8192xf32> -> vector<64x8192xf32>
    %reshape3A_11 = vector.shape_cast %dot_general3A_10 : vector<64x8192xf32> to vector<64x64x128xf32>
    %eq3A_12 = arith.cmpi eq, %iota3A, %iota3A_5 : vector<64x64x128xi32>
    %jit3A_13 = arith.constant 0.000000e+00 : f32
    %broadcast_in_dim3A_14 = vector.broadcast %jit3A_13 : f32 to vector<64x64x128xf32>
    %select_n3A_15 = arith.select %eq3A_12, %reshape3A_11, %broadcast_in_dim3A_14 : vector<64x64x128xi1>, vector<64x64x128xf32>
    %reduce_sum3A_16 = arith.constant dense<0.000000e+00> : vector<64x128xf32>
    %reduce_sum3A_17 = vector.multi_reduction <add>, %select_n3A_15, %reduce_sum3A_16 [1] : vector<64x64x128xf32> to vector<64x128xf32>
    %concatenate3A = tpu.concatenate %reduce_sum3A_7, %reduce_sum3A_17 in 1 : vector<64x128xf32>, vector<64x128xf32> -> vector<64x256xf32>
    %get3A_18 = arith.constant 0 : index
    %get3A_19 = arith.constant 0 : index
    %get3A_20 = vector.load %arg2[%get3A_18, %get3A_19] : memref<64x256xf32, #tpu.memory_space<vmem>>, vector<64x256xf32>
    %mul3A = arith.mulf %concatenate3A, %get3A_20 : vector<64x256xf32>
    %eq3A_21 = arith.constant 0.000000e+00 : f32
    %eq3A_22 = vector.broadcast %eq3A_21 : f32 to vector<64x256xf32>
    %eq3A_23 = arith.cmpf oeq, %get3A_20, %eq3A_22 : vector<64x256xf32>
    %jit3A_24 = arith.constant -1.000000e+30 : f32
    %jit3A_25 = arith.constant 0.000000e+00 : f32
    %broadcast_in_dim3A_26 = vector.broadcast %jit3A_24 : f32 to vector<64x256xf32>
    %broadcast_in_dim3A_27 = vector.broadcast %jit3A_25 : f32 to vector<64x256xf32>
    %select_n3A_28 = arith.select %eq3A_23, %broadcast_in_dim3A_26, %broadcast_in_dim3A_27 : vector<64x256xi1>, vector<64x256xf32>
    %add3A = arith.addf %mul3A, %select_n3A_28 : vector<64x256xf32>
    %get3A_29 = arith.constant 0 : index
    %get3A_30 = arith.constant 0 : index
    %get3A_31 = vector.load %arg4[%get3A_29, %get3A_30] : memref<64x256xi32, #tpu.memory_space<vmem>>, vector<64x256xi32>
    %iota3A_32 = tpu.iota {dimensions = array<i32: 1>} : vector<64x256xi32>
    %reduce_max3A = arith.constant dense<0xFF800000> : vector<64xf32>
    %reduce_max3A_33 = vector.multi_reduction <maximumf>, %add3A, %reduce_max3A [1] : vector<64x256xf32> to vector<64xf32>
    %broadcast_in_dim3A_34 = vector.shape_cast %reduce_max3A_33 : vector<64xf32> to vector<64x1xf32>
    %eq3A_35 = vector.broadcast %broadcast_in_dim3A_34 : vector<64x1xf32> to vector<64x256xf32>
    %eq3A_36 = arith.cmpf oeq, %add3A, %eq3A_35 : vector<64x256xf32>
    %jit3A_37 = arith.constant 256 : i32
    %broadcast_in_dim3A_38 = vector.broadcast %jit3A_37 : i32 to vector<64x256xi32>
    %select_n3A_39 = arith.select %eq3A_36, %iota3A_32, %broadcast_in_dim3A_38 : vector<64x256xi1>, vector<64x256xi32>
    %reduce_min3A = arith.constant dense<2147483647> : vector<64xi32>
    %reduce_min3A_40 = vector.multi_reduction <minsi>, %select_n3A_39, %reduce_min3A [1] : vector<64x256xi32> to vector<64xi32>
    %broadcast_in_dim3A_41 = vector.shape_cast %reduce_min3A_40 : vector<64xi32> to vector<64x1xi32>
    %eq3A_42 = vector.broadcast %broadcast_in_dim3A_41 : vector<64x1xi32> to vector<64x256xi32>
    %eq3A_43 = arith.cmpi eq, %iota3A_32, %eq3A_42 : vector<64x256xi32>
    %jit3A_44 = arith.constant -1 : i32
    %broadcast_in_dim3A_45 = vector.broadcast %jit3A_44 : i32 to vector<64x256xi32>
    %select_n3A_46 = arith.select %eq3A_43, %get3A_31, %broadcast_in_dim3A_45 : vector<64x256xi1>, vector<64x256xi32>
    %reduce_max3A_47 = arith.constant dense<-2147483648> : vector<64xi32>
    %reduce_max3A_48 = vector.multi_reduction <maxsi>, %select_n3A_46, %reduce_max3A_47 [1] : vector<64x256xi32> to vector<64xi32>
    %broadcast_in_dim3A_49 = vector.shape_cast %reduce_max3A_48 : vector<64xi32> to vector<64x1xi32>
    %eq3A_50 = vector.broadcast %broadcast_in_dim3A_41 : vector<64x1xi32> to vector<64x256xi32>
    %eq3A_51 = arith.cmpi eq, %iota3A_32, %eq3A_50 : vector<64x256xi32>
    %jit3A_52 = arith.constant -3.000000e+38 : f32
    %broadcast_in_dim3A_53 = vector.broadcast %jit3A_52 : f32 to vector<64x256xf32>
    %select_n3A_54 = arith.select %eq3A_51, %broadcast_in_dim3A_53, %add3A : vector<64x256xi1>, vector<64x256xf32>
    %reduce_max3A_55 = arith.constant dense<0xFF800000> : vector<64xf32>
    %reduce_max3A_56 = vector.multi_reduction <maximumf>, %select_n3A_54, %reduce_max3A_55 [1] : vector<64x256xf32> to vector<64xf32>
    %broadcast_in_dim3A_57 = vector.shape_cast %reduce_max3A_56 : vector<64xf32> to vector<64x1xf32>
    %eq3A_58 = vector.broadcast %broadcast_in_dim3A_57 : vector<64x1xf32> to vector<64x256xf32>
    %eq3A_59 = arith.cmpf oeq, %select_n3A_54, %eq3A_58 : vector<64x256xf32>
    %jit3A_60 = arith.constant 256 : i32
    %broadcast_in_dim3A_61 = vector.broadcast %jit3A_60 : i32 to vector<64x256xi32>
    %select_n3A_62 = arith.select %eq3A_59, %iota3A_32, %broadcast_in_dim3A_61 : vector<64x256xi1>, vector<64x256xi32>
    %reduce_min3A_63 = arith.constant dense<2147483647> : vector<64xi32>
    %reduce_min3A_64 = vector.multi_reduction <minsi>, %select_n3A_62, %reduce_min3A_63 [1] : vector<64x256xi32> to vector<64xi32>
    %broadcast_in_dim3A_65 = vector.shape_cast %reduce_min3A_64 : vector<64xi32> to vector<64x1xi32>
    %eq3A_66 = vector.broadcast %broadcast_in_dim3A_65 : vector<64x1xi32> to vector<64x256xi32>
    %eq3A_67 = arith.cmpi eq, %iota3A_32, %eq3A_66 : vector<64x256xi32>
    %jit3A_68 = arith.constant -1 : i32
    %broadcast_in_dim3A_69 = vector.broadcast %jit3A_68 : i32 to vector<64x256xi32>
    %select_n3A_70 = arith.select %eq3A_67, %get3A_31, %broadcast_in_dim3A_69 : vector<64x256xi1>, vector<64x256xi32>
    %reduce_max3A_71 = arith.constant dense<-2147483648> : vector<64xi32>
    %reduce_max3A_72 = vector.multi_reduction <maxsi>, %select_n3A_70, %reduce_max3A_71 [1] : vector<64x256xi32> to vector<64xi32>
    %broadcast_in_dim3A_73 = vector.shape_cast %reduce_max3A_72 : vector<64xi32> to vector<64x1xi32>
    %eq3A_74 = vector.broadcast %broadcast_in_dim3A_65 : vector<64x1xi32> to vector<64x256xi32>
    %eq3A_75 = arith.cmpi eq, %iota3A_32, %eq3A_74 : vector<64x256xi32>
    %jit3A_76 = arith.constant -3.000000e+38 : f32
    %broadcast_in_dim3A_77 = vector.broadcast %jit3A_76 : f32 to vector<64x256xf32>
    %select_n3A_78 = arith.select %eq3A_75, %broadcast_in_dim3A_77, %select_n3A_54 : vector<64x256xi1>, vector<64x256xf32>
    %reduce_max3A_79 = arith.constant dense<0xFF800000> : vector<64xf32>
    %reduce_max3A_80 = vector.multi_reduction <maximumf>, %select_n3A_78, %reduce_max3A_79 [1] : vector<64x256xf32> to vector<64xf32>
    %broadcast_in_dim3A_81 = vector.shape_cast %reduce_max3A_80 : vector<64xf32> to vector<64x1xf32>
    %eq3A_82 = vector.broadcast %broadcast_in_dim3A_81 : vector<64x1xf32> to vector<64x256xf32>
    %eq3A_83 = arith.cmpf oeq, %select_n3A_78, %eq3A_82 : vector<64x256xf32>
    %jit3A_84 = arith.constant 256 : i32
    %broadcast_in_dim3A_85 = vector.broadcast %jit3A_84 : i32 to vector<64x256xi32>
    %select_n3A_86 = arith.select %eq3A_83, %iota3A_32, %broadcast_in_dim3A_85 : vector<64x256xi1>, vector<64x256xi32>
    %reduce_min3A_87 = arith.constant dense<2147483647> : vector<64xi32>
    %reduce_min3A_88 = vector.multi_reduction <minsi>, %select_n3A_86, %reduce_min3A_87 [1] : vector<64x256xi32> to vector<64xi32>
    %broadcast_in_dim3A_89 = vector.shape_cast %reduce_min3A_88 : vector<64xi32> to vector<64x1xi32>
    %eq3A_90 = vector.broadcast %broadcast_in_dim3A_89 : vector<64x1xi32> to vector<64x256xi32>
    %eq3A_91 = arith.cmpi eq, %iota3A_32, %eq3A_90 : vector<64x256xi32>
    %jit3A_92 = arith.constant -1 : i32
    %broadcast_in_dim3A_93 = vector.broadcast %jit3A_92 : i32 to vector<64x256xi32>
    %select_n3A_94 = arith.select %eq3A_91, %get3A_31, %broadcast_in_dim3A_93 : vector<64x256xi1>, vector<64x256xi32>
    %reduce_max3A_95 = arith.constant dense<-2147483648> : vector<64xi32>
    %reduce_max3A_96 = vector.multi_reduction <maxsi>, %select_n3A_94, %reduce_max3A_95 [1] : vector<64x256xi32> to vector<64xi32>
    %broadcast_in_dim3A_97 = vector.shape_cast %reduce_max3A_96 : vector<64xi32> to vector<64x1xi32>
    %eq3A_98 = vector.broadcast %broadcast_in_dim3A_89 : vector<64x1xi32> to vector<64x256xi32>
    %eq3A_99 = arith.cmpi eq, %iota3A_32, %eq3A_98 : vector<64x256xi32>
    %jit3A_100 = arith.constant -3.000000e+38 : f32
    %broadcast_in_dim3A_101 = vector.broadcast %jit3A_100 : f32 to vector<64x256xf32>
    %select_n3A_102 = arith.select %eq3A_99, %broadcast_in_dim3A_101, %select_n3A_78 : vector<64x256xi1>, vector<64x256xf32>
    %reduce_max3A_103 = arith.constant dense<0xFF800000> : vector<64xf32>
    %reduce_max3A_104 = vector.multi_reduction <maximumf>, %select_n3A_102, %reduce_max3A_103 [1] : vector<64x256xf32> to vector<64xf32>
    %broadcast_in_dim3A_105 = vector.shape_cast %reduce_max3A_104 : vector<64xf32> to vector<64x1xf32>
    %eq3A_106 = vector.broadcast %broadcast_in_dim3A_105 : vector<64x1xf32> to vector<64x256xf32>
    %eq3A_107 = arith.cmpf oeq, %select_n3A_102, %eq3A_106 : vector<64x256xf32>
    %jit3A_108 = arith.constant 256 : i32
    %broadcast_in_dim3A_109 = vector.broadcast %jit3A_108 : i32 to vector<64x256xi32>
    %select_n3A_110 = arith.select %eq3A_107, %iota3A_32, %broadcast_in_dim3A_109 : vector<64x256xi1>, vector<64x256xi32>
    %reduce_min3A_111 = arith.constant dense<2147483647> : vector<64xi32>
    %reduce_min3A_112 = vector.multi_reduction <minsi>, %select_n3A_110, %reduce_min3A_111 [1] : vector<64x256xi32> to vector<64xi32>
    %broadcast_in_dim3A_113 = vector.shape_cast %reduce_min3A_112 : vector<64xi32> to vector<64x1xi32>
    %eq3A_114 = vector.broadcast %broadcast_in_dim3A_113 : vector<64x1xi32> to vector<64x256xi32>
    %eq3A_115 = arith.cmpi eq, %iota3A_32, %eq3A_114 : vector<64x256xi32>
    %jit3A_116 = arith.constant -1 : i32
    %broadcast_in_dim3A_117 = vector.broadcast %jit3A_116 : i32 to vector<64x256xi32>
    %select_n3A_118 = arith.select %eq3A_115, %get3A_31, %broadcast_in_dim3A_117 : vector<64x256xi1>, vector<64x256xi32>
    %reduce_max3A_119 = arith.constant dense<-2147483648> : vector<64xi32>
    %reduce_max3A_120 = vector.multi_reduction <maxsi>, %select_n3A_118, %reduce_max3A_119 [1] : vector<64x256xi32> to vector<64xi32>
    %broadcast_in_dim3A_121 = vector.shape_cast %reduce_max3A_120 : vector<64xi32> to vector<64x1xi32>
    %eq3A_122 = vector.broadcast %broadcast_in_dim3A_113 : vector<64x1xi32> to vector<64x256xi32>
    %eq3A_123 = arith.cmpi eq, %iota3A_32, %eq3A_122 : vector<64x256xi32>
    %jit3A_124 = arith.constant -3.000000e+38 : f32
    %broadcast_in_dim3A_125 = vector.broadcast %jit3A_124 : f32 to vector<64x256xf32>
    %select_n3A_126 = arith.select %eq3A_123, %broadcast_in_dim3A_125, %select_n3A_102 : vector<64x256xi1>, vector<64x256xf32>
    %reduce_max3A_127 = arith.constant dense<0xFF800000> : vector<64xf32>
    %reduce_max3A_128 = vector.multi_reduction <maximumf>, %select_n3A_126, %reduce_max3A_127 [1] : vector<64x256xf32> to vector<64xf32>
    %broadcast_in_dim3A_129 = vector.shape_cast %reduce_max3A_128 : vector<64xf32> to vector<64x1xf32>
    %eq3A_130 = vector.broadcast %broadcast_in_dim3A_129 : vector<64x1xf32> to vector<64x256xf32>
    %eq3A_131 = arith.cmpf oeq, %select_n3A_126, %eq3A_130 : vector<64x256xf32>
    %jit3A_132 = arith.constant 256 : i32
    %broadcast_in_dim3A_133 = vector.broadcast %jit3A_132 : i32 to vector<64x256xi32>
    %select_n3A_134 = arith.select %eq3A_131, %iota3A_32, %broadcast_in_dim3A_133 : vector<64x256xi1>, vector<64x256xi32>
    %reduce_min3A_135 = arith.constant dense<2147483647> : vector<64xi32>
    %reduce_min3A_136 = vector.multi_reduction <minsi>, %select_n3A_134, %reduce_min3A_135 [1] : vector<64x256xi32> to vector<64xi32>
    %broadcast_in_dim3A_137 = vector.shape_cast %reduce_min3A_136 : vector<64xi32> to vector<64x1xi32>
    %eq3A_138 = vector.broadcast %broadcast_in_dim3A_137 : vector<64x1xi32> to vector<64x256xi32>
    %eq3A_139 = arith.cmpi eq, %iota3A_32, %eq3A_138 : vector<64x256xi32>
    %jit3A_140 = arith.constant -1 : i32
    %broadcast_in_dim3A_141 = vector.broadcast %jit3A_140 : i32 to vector<64x256xi32>
    %select_n3A_142 = arith.select %eq3A_139, %get3A_31, %broadcast_in_dim3A_141 : vector<64x256xi1>, vector<64x256xi32>
    %reduce_max3A_143 = arith.constant dense<-2147483648> : vector<64xi32>
    %reduce_max3A_144 = vector.multi_reduction <maxsi>, %select_n3A_142, %reduce_max3A_143 [1] : vector<64x256xi32> to vector<64xi32>
    %broadcast_in_dim3A_145 = vector.shape_cast %reduce_max3A_144 : vector<64xi32> to vector<64x1xi32>
    %eq3A_146 = vector.broadcast %broadcast_in_dim3A_137 : vector<64x1xi32> to vector<64x256xi32>
    %eq3A_147 = arith.cmpi eq, %iota3A_32, %eq3A_146 : vector<64x256xi32>
    %jit3A_148 = arith.constant -3.000000e+38 : f32
    %broadcast_in_dim3A_149 = vector.broadcast %jit3A_148 : f32 to vector<64x256xf32>
    %select_n3A_150 = arith.select %eq3A_147, %broadcast_in_dim3A_149, %select_n3A_126 : vector<64x256xi1>, vector<64x256xf32>
    %reduce_max3A_151 = arith.constant dense<0xFF800000> : vector<64xf32>
    %reduce_max3A_152 = vector.multi_reduction <maximumf>, %select_n3A_150, %reduce_max3A_151 [1] : vector<64x256xf32> to vector<64xf32>
    %broadcast_in_dim3A_153 = vector.shape_cast %reduce_max3A_152 : vector<64xf32> to vector<64x1xf32>
    %eq3A_154 = vector.broadcast %broadcast_in_dim3A_153 : vector<64x1xf32> to vector<64x256xf32>
    %eq3A_155 = arith.cmpf oeq, %select_n3A_150, %eq3A_154 : vector<64x256xf32>
    %jit3A_156 = arith.constant 256 : i32
    %broadcast_in_dim3A_157 = vector.broadcast %jit3A_156 : i32 to vector<64x256xi32>
    %select_n3A_158 = arith.select %eq3A_155, %iota3A_32, %broadcast_in_dim3A_157 : vector<64x256xi1>, vector<64x256xi32>
    %reduce_min3A_159 = arith.constant dense<2147483647> : vector<64xi32>
    %reduce_min3A_160 = vector.multi_reduction <minsi>, %select_n3A_158, %reduce_min3A_159 [1] : vector<64x256xi32> to vector<64xi32>
    %broadcast_in_dim3A_161 = vector.shape_cast %reduce_min3A_160 : vector<64xi32> to vector<64x1xi32>
    %eq3A_162 = vector.broadcast %broadcast_in_dim3A_161 : vector<64x1xi32> to vector<64x256xi32>
    %eq3A_163 = arith.cmpi eq, %iota3A_32, %eq3A_162 : vector<64x256xi32>
    %jit3A_164 = arith.constant -1 : i32
    %broadcast_in_dim3A_165 = vector.broadcast %jit3A_164 : i32 to vector<64x256xi32>
    %select_n3A_166 = arith.select %eq3A_163, %get3A_31, %broadcast_in_dim3A_165 : vector<64x256xi1>, vector<64x256xi32>
    %reduce_max3A_167 = arith.constant dense<-2147483648> : vector<64xi32>
    %reduce_max3A_168 = vector.multi_reduction <maxsi>, %select_n3A_166, %reduce_max3A_167 [1] : vector<64x256xi32> to vector<64xi32>
    %broadcast_in_dim3A_169 = vector.shape_cast %reduce_max3A_168 : vector<64xi32> to vector<64x1xi32>
    %eq3A_170 = vector.broadcast %broadcast_in_dim3A_161 : vector<64x1xi32> to vector<64x256xi32>
    %eq3A_171 = arith.cmpi eq, %iota3A_32, %eq3A_170 : vector<64x256xi32>
    %jit3A_172 = arith.constant -3.000000e+38 : f32
    %broadcast_in_dim3A_173 = vector.broadcast %jit3A_172 : f32 to vector<64x256xf32>
    %select_n3A_174 = arith.select %eq3A_171, %broadcast_in_dim3A_173, %select_n3A_150 : vector<64x256xi1>, vector<64x256xf32>
    %reduce_max3A_175 = arith.constant dense<0xFF800000> : vector<64xf32>
    %reduce_max3A_176 = vector.multi_reduction <maximumf>, %select_n3A_174, %reduce_max3A_175 [1] : vector<64x256xf32> to vector<64xf32>
    %broadcast_in_dim3A_177 = vector.shape_cast %reduce_max3A_176 : vector<64xf32> to vector<64x1xf32>
    %eq3A_178 = vector.broadcast %broadcast_in_dim3A_177 : vector<64x1xf32> to vector<64x256xf32>
    %eq3A_179 = arith.cmpf oeq, %select_n3A_174, %eq3A_178 : vector<64x256xf32>
    %jit3A_180 = arith.constant 256 : i32
    %broadcast_in_dim3A_181 = vector.broadcast %jit3A_180 : i32 to vector<64x256xi32>
    %select_n3A_182 = arith.select %eq3A_179, %iota3A_32, %broadcast_in_dim3A_181 : vector<64x256xi1>, vector<64x256xi32>
    %reduce_min3A_183 = arith.constant dense<2147483647> : vector<64xi32>
    %reduce_min3A_184 = vector.multi_reduction <minsi>, %select_n3A_182, %reduce_min3A_183 [1] : vector<64x256xi32> to vector<64xi32>
    %broadcast_in_dim3A_185 = vector.shape_cast %reduce_min3A_184 : vector<64xi32> to vector<64x1xi32>
    %eq3A_186 = vector.broadcast %broadcast_in_dim3A_185 : vector<64x1xi32> to vector<64x256xi32>
    %eq3A_187 = arith.cmpi eq, %iota3A_32, %eq3A_186 : vector<64x256xi32>
    %jit3A_188 = arith.constant -1 : i32
    %broadcast_in_dim3A_189 = vector.broadcast %jit3A_188 : i32 to vector<64x256xi32>
    %select_n3A_190 = arith.select %eq3A_187, %get3A_31, %broadcast_in_dim3A_189 : vector<64x256xi1>, vector<64x256xi32>
    %reduce_max3A_191 = arith.constant dense<-2147483648> : vector<64xi32>
    %reduce_max3A_192 = vector.multi_reduction <maxsi>, %select_n3A_190, %reduce_max3A_191 [1] : vector<64x256xi32> to vector<64xi32>
    %broadcast_in_dim3A_193 = vector.shape_cast %reduce_max3A_192 : vector<64xi32> to vector<64x1xi32>
    %eq3A_194 = vector.broadcast %broadcast_in_dim3A_185 : vector<64x1xi32> to vector<64x256xi32>
    %eq3A_195 = arith.cmpi eq, %iota3A_32, %eq3A_194 : vector<64x256xi32>
    %jit3A_196 = arith.constant -3.000000e+38 : f32
    %broadcast_in_dim3A_197 = vector.broadcast %jit3A_196 : f32 to vector<64x256xf32>
    %select_n3A_198 = arith.select %eq3A_195, %broadcast_in_dim3A_197, %select_n3A_174 : vector<64x256xi1>, vector<64x256xf32>
    %reduce_max3A_199 = arith.constant dense<0xFF800000> : vector<64xf32>
    %reduce_max3A_200 = vector.multi_reduction <maximumf>, %select_n3A_198, %reduce_max3A_199 [1] : vector<64x256xf32> to vector<64xf32>
    %broadcast_in_dim3A_201 = vector.shape_cast %reduce_max3A_200 : vector<64xf32> to vector<64x1xf32>
    %eq3A_202 = vector.broadcast %broadcast_in_dim3A_201 : vector<64x1xf32> to vector<64x256xf32>
    %eq3A_203 = arith.cmpf oeq, %select_n3A_198, %eq3A_202 : vector<64x256xf32>
    %jit3A_204 = arith.constant 256 : i32
    %broadcast_in_dim3A_205 = vector.broadcast %jit3A_204 : i32 to vector<64x256xi32>
    %select_n3A_206 = arith.select %eq3A_203, %iota3A_32, %broadcast_in_dim3A_205 : vector<64x256xi1>, vector<64x256xi32>
    %reduce_min3A_207 = arith.constant dense<2147483647> : vector<64xi32>
    %reduce_min3A_208 = vector.multi_reduction <minsi>, %select_n3A_206, %reduce_min3A_207 [1] : vector<64x256xi32> to vector<64xi32>
    %broadcast_in_dim3A_209 = vector.shape_cast %reduce_min3A_208 : vector<64xi32> to vector<64x1xi32>
    %eq3A_210 = vector.broadcast %broadcast_in_dim3A_209 : vector<64x1xi32> to vector<64x256xi32>
    %eq3A_211 = arith.cmpi eq, %iota3A_32, %eq3A_210 : vector<64x256xi32>
    %jit3A_212 = arith.constant -1 : i32
    %broadcast_in_dim3A_213 = vector.broadcast %jit3A_212 : i32 to vector<64x256xi32>
    %select_n3A_214 = arith.select %eq3A_211, %get3A_31, %broadcast_in_dim3A_213 : vector<64x256xi1>, vector<64x256xi32>
    %reduce_max3A_215 = arith.constant dense<-2147483648> : vector<64xi32>
    %reduce_max3A_216 = vector.multi_reduction <maxsi>, %select_n3A_214, %reduce_max3A_215 [1] : vector<64x256xi32> to vector<64xi32>
    %broadcast_in_dim3A_217 = vector.shape_cast %reduce_max3A_216 : vector<64xi32> to vector<64x1xi32>
    %eq3A_218 = vector.broadcast %broadcast_in_dim3A_209 : vector<64x1xi32> to vector<64x256xi32>
    %eq3A_219 = arith.cmpi eq, %iota3A_32, %eq3A_218 : vector<64x256xi32>
    %jit3A_220 = arith.constant -3.000000e+38 : f32
    %broadcast_in_dim3A_221 = vector.broadcast %jit3A_220 : f32 to vector<64x256xf32>
    %select_n3A_222 = arith.select %eq3A_219, %broadcast_in_dim3A_221, %select_n3A_198 : vector<64x256xi1>, vector<64x256xf32>
    %reduce_max3A_223 = arith.constant dense<0xFF800000> : vector<64xf32>
    %reduce_max3A_224 = vector.multi_reduction <maximumf>, %select_n3A_222, %reduce_max3A_223 [1] : vector<64x256xf32> to vector<64xf32>
    %broadcast_in_dim3A_225 = vector.shape_cast %reduce_max3A_224 : vector<64xf32> to vector<64x1xf32>
    %eq3A_226 = vector.broadcast %broadcast_in_dim3A_225 : vector<64x1xf32> to vector<64x256xf32>
    %eq3A_227 = arith.cmpf oeq, %select_n3A_222, %eq3A_226 : vector<64x256xf32>
    %jit3A_228 = arith.constant 256 : i32
    %broadcast_in_dim3A_229 = vector.broadcast %jit3A_228 : i32 to vector<64x256xi32>
    %select_n3A_230 = arith.select %eq3A_227, %iota3A_32, %broadcast_in_dim3A_229 : vector<64x256xi1>, vector<64x256xi32>
    %reduce_min3A_231 = arith.constant dense<2147483647> : vector<64xi32>
    %reduce_min3A_232 = vector.multi_reduction <minsi>, %select_n3A_230, %reduce_min3A_231 [1] : vector<64x256xi32> to vector<64xi32>
    %broadcast_in_dim3A_233 = vector.shape_cast %reduce_min3A_232 : vector<64xi32> to vector<64x1xi32>
    %eq3A_234 = vector.broadcast %broadcast_in_dim3A_233 : vector<64x1xi32> to vector<64x256xi32>
    %eq3A_235 = arith.cmpi eq, %iota3A_32, %eq3A_234 : vector<64x256xi32>
    %jit3A_236 = arith.constant -1 : i32
    %broadcast_in_dim3A_237 = vector.broadcast %jit3A_236 : i32 to vector<64x256xi32>
    %select_n3A_238 = arith.select %eq3A_235, %get3A_31, %broadcast_in_dim3A_237 : vector<64x256xi1>, vector<64x256xi32>
    %reduce_max3A_239 = arith.constant dense<-2147483648> : vector<64xi32>
    %reduce_max3A_240 = vector.multi_reduction <maxsi>, %select_n3A_238, %reduce_max3A_239 [1] : vector<64x256xi32> to vector<64xi32>
    %broadcast_in_dim3A_241 = vector.shape_cast %reduce_max3A_240 : vector<64xi32> to vector<64x1xi32>
    %eq3A_242 = vector.broadcast %broadcast_in_dim3A_233 : vector<64x1xi32> to vector<64x256xi32>
    %eq3A_243 = arith.cmpi eq, %iota3A_32, %eq3A_242 : vector<64x256xi32>
    %jit3A_244 = arith.constant -3.000000e+38 : f32
    %broadcast_in_dim3A_245 = vector.broadcast %jit3A_244 : f32 to vector<64x256xf32>
    %select_n3A_246 = arith.select %eq3A_243, %broadcast_in_dim3A_245, %select_n3A_222 : vector<64x256xi1>, vector<64x256xf32>
    %reduce_max3A_247 = arith.constant dense<0xFF800000> : vector<64xf32>
    %reduce_max3A_248 = vector.multi_reduction <maximumf>, %select_n3A_246, %reduce_max3A_247 [1] : vector<64x256xf32> to vector<64xf32>
    %broadcast_in_dim3A_249 = vector.shape_cast %reduce_max3A_248 : vector<64xf32> to vector<64x1xf32>
    %eq3A_250 = vector.broadcast %broadcast_in_dim3A_249 : vector<64x1xf32> to vector<64x256xf32>
    %eq3A_251 = arith.cmpf oeq, %select_n3A_246, %eq3A_250 : vector<64x256xf32>
    %jit3A_252 = arith.constant 256 : i32
    %broadcast_in_dim3A_253 = vector.broadcast %jit3A_252 : i32 to vector<64x256xi32>
    %select_n3A_254 = arith.select %eq3A_251, %iota3A_32, %broadcast_in_dim3A_253 : vector<64x256xi1>, vector<64x256xi32>
    %reduce_min3A_255 = arith.constant dense<2147483647> : vector<64xi32>
    %reduce_min3A_256 = vector.multi_reduction <minsi>, %select_n3A_254, %reduce_min3A_255 [1] : vector<64x256xi32> to vector<64xi32>
    %broadcast_in_dim3A_257 = vector.shape_cast %reduce_min3A_256 : vector<64xi32> to vector<64x1xi32>
    %eq3A_258 = vector.broadcast %broadcast_in_dim3A_257 : vector<64x1xi32> to vector<64x256xi32>
    %eq3A_259 = arith.cmpi eq, %iota3A_32, %eq3A_258 : vector<64x256xi32>
    %jit3A_260 = arith.constant -1 : i32
    %broadcast_in_dim3A_261 = vector.broadcast %jit3A_260 : i32 to vector<64x256xi32>
    %select_n3A_262 = arith.select %eq3A_259, %get3A_31, %broadcast_in_dim3A_261 : vector<64x256xi1>, vector<64x256xi32>
    %reduce_max3A_263 = arith.constant dense<-2147483648> : vector<64xi32>
    %reduce_max3A_264 = vector.multi_reduction <maxsi>, %select_n3A_262, %reduce_max3A_263 [1] : vector<64x256xi32> to vector<64xi32>
    %broadcast_in_dim3A_265 = vector.shape_cast %reduce_max3A_264 : vector<64xi32> to vector<64x1xi32>
    %eq3A_266 = vector.broadcast %broadcast_in_dim3A_257 : vector<64x1xi32> to vector<64x256xi32>
    %eq3A_267 = arith.cmpi eq, %iota3A_32, %eq3A_266 : vector<64x256xi32>
    %jit3A_268 = arith.constant -3.000000e+38 : f32
    %broadcast_in_dim3A_269 = vector.broadcast %jit3A_268 : f32 to vector<64x256xf32>
    %select_n3A_270 = arith.select %eq3A_267, %broadcast_in_dim3A_269, %select_n3A_246 : vector<64x256xi1>, vector<64x256xf32>
    %reduce_max3A_271 = arith.constant dense<0xFF800000> : vector<64xf32>
    %reduce_max3A_272 = vector.multi_reduction <maximumf>, %select_n3A_270, %reduce_max3A_271 [1] : vector<64x256xf32> to vector<64xf32>
    %broadcast_in_dim3A_273 = vector.shape_cast %reduce_max3A_272 : vector<64xf32> to vector<64x1xf32>
    %eq3A_274 = vector.broadcast %broadcast_in_dim3A_273 : vector<64x1xf32> to vector<64x256xf32>
    %eq3A_275 = arith.cmpf oeq, %select_n3A_270, %eq3A_274 : vector<64x256xf32>
    %jit3A_276 = arith.constant 256 : i32
    %broadcast_in_dim3A_277 = vector.broadcast %jit3A_276 : i32 to vector<64x256xi32>
    %select_n3A_278 = arith.select %eq3A_275, %iota3A_32, %broadcast_in_dim3A_277 : vector<64x256xi1>, vector<64x256xi32>
    %reduce_min3A_279 = arith.constant dense<2147483647> : vector<64xi32>
    %reduce_min3A_280 = vector.multi_reduction <minsi>, %select_n3A_278, %reduce_min3A_279 [1] : vector<64x256xi32> to vector<64xi32>
    %broadcast_in_dim3A_281 = vector.shape_cast %reduce_min3A_280 : vector<64xi32> to vector<64x1xi32>
    %eq3A_282 = vector.broadcast %broadcast_in_dim3A_281 : vector<64x1xi32> to vector<64x256xi32>
    %eq3A_283 = arith.cmpi eq, %iota3A_32, %eq3A_282 : vector<64x256xi32>
    %jit3A_284 = arith.constant -1 : i32
    %broadcast_in_dim3A_285 = vector.broadcast %jit3A_284 : i32 to vector<64x256xi32>
    %select_n3A_286 = arith.select %eq3A_283, %get3A_31, %broadcast_in_dim3A_285 : vector<64x256xi1>, vector<64x256xi32>
    %reduce_max3A_287 = arith.constant dense<-2147483648> : vector<64xi32>
    %reduce_max3A_288 = vector.multi_reduction <maxsi>, %select_n3A_286, %reduce_max3A_287 [1] : vector<64x256xi32> to vector<64xi32>
    %broadcast_in_dim3A_289 = vector.shape_cast %reduce_max3A_288 : vector<64xi32> to vector<64x1xi32>
    %eq3A_290 = vector.broadcast %broadcast_in_dim3A_281 : vector<64x1xi32> to vector<64x256xi32>
    %eq3A_291 = arith.cmpi eq, %iota3A_32, %eq3A_290 : vector<64x256xi32>
    %jit3A_292 = arith.constant -3.000000e+38 : f32
    %broadcast_in_dim3A_293 = vector.broadcast %jit3A_292 : f32 to vector<64x256xf32>
    %select_n3A_294 = arith.select %eq3A_291, %broadcast_in_dim3A_293, %select_n3A_270 : vector<64x256xi1>, vector<64x256xf32>
    %reduce_max3A_295 = arith.constant dense<0xFF800000> : vector<64xf32>
    %reduce_max3A_296 = vector.multi_reduction <maximumf>, %select_n3A_294, %reduce_max3A_295 [1] : vector<64x256xf32> to vector<64xf32>
    %broadcast_in_dim3A_297 = vector.shape_cast %reduce_max3A_296 : vector<64xf32> to vector<64x1xf32>
    %eq3A_298 = vector.broadcast %broadcast_in_dim3A_297 : vector<64x1xf32> to vector<64x256xf32>
    %eq3A_299 = arith.cmpf oeq, %select_n3A_294, %eq3A_298 : vector<64x256xf32>
    %jit3A_300 = arith.constant 256 : i32
    %broadcast_in_dim3A_301 = vector.broadcast %jit3A_300 : i32 to vector<64x256xi32>
    %select_n3A_302 = arith.select %eq3A_299, %iota3A_32, %broadcast_in_dim3A_301 : vector<64x256xi1>, vector<64x256xi32>
    %reduce_min3A_303 = arith.constant dense<2147483647> : vector<64xi32>
    %reduce_min3A_304 = vector.multi_reduction <minsi>, %select_n3A_302, %reduce_min3A_303 [1] : vector<64x256xi32> to vector<64xi32>
    %broadcast_in_dim3A_305 = vector.shape_cast %reduce_min3A_304 : vector<64xi32> to vector<64x1xi32>
    %eq3A_306 = vector.broadcast %broadcast_in_dim3A_305 : vector<64x1xi32> to vector<64x256xi32>
    %eq3A_307 = arith.cmpi eq, %iota3A_32, %eq3A_306 : vector<64x256xi32>
    %jit3A_308 = arith.constant -1 : i32
    %broadcast_in_dim3A_309 = vector.broadcast %jit3A_308 : i32 to vector<64x256xi32>
    %select_n3A_310 = arith.select %eq3A_307, %get3A_31, %broadcast_in_dim3A_309 : vector<64x256xi1>, vector<64x256xi32>
    %reduce_max3A_311 = arith.constant dense<-2147483648> : vector<64xi32>
    %reduce_max3A_312 = vector.multi_reduction <maxsi>, %select_n3A_310, %reduce_max3A_311 [1] : vector<64x256xi32> to vector<64xi32>
    %broadcast_in_dim3A_313 = vector.shape_cast %reduce_max3A_312 : vector<64xi32> to vector<64x1xi32>
    %eq3A_314 = vector.broadcast %broadcast_in_dim3A_305 : vector<64x1xi32> to vector<64x256xi32>
    %eq3A_315 = arith.cmpi eq, %iota3A_32, %eq3A_314 : vector<64x256xi32>
    %jit3A_316 = arith.constant -3.000000e+38 : f32
    %broadcast_in_dim3A_317 = vector.broadcast %jit3A_316 : f32 to vector<64x256xf32>
    %select_n3A_318 = arith.select %eq3A_315, %broadcast_in_dim3A_317, %select_n3A_294 : vector<64x256xi1>, vector<64x256xf32>
    %reduce_max3A_319 = arith.constant dense<0xFF800000> : vector<64xf32>
    %reduce_max3A_320 = vector.multi_reduction <maximumf>, %select_n3A_318, %reduce_max3A_319 [1] : vector<64x256xf32> to vector<64xf32>
    %broadcast_in_dim3A_321 = vector.shape_cast %reduce_max3A_320 : vector<64xf32> to vector<64x1xf32>
    %eq3A_322 = vector.broadcast %broadcast_in_dim3A_321 : vector<64x1xf32> to vector<64x256xf32>
    %eq3A_323 = arith.cmpf oeq, %select_n3A_318, %eq3A_322 : vector<64x256xf32>
    %jit3A_324 = arith.constant 256 : i32
    %broadcast_in_dim3A_325 = vector.broadcast %jit3A_324 : i32 to vector<64x256xi32>
    %select_n3A_326 = arith.select %eq3A_323, %iota3A_32, %broadcast_in_dim3A_325 : vector<64x256xi1>, vector<64x256xi32>
    %reduce_min3A_327 = arith.constant dense<2147483647> : vector<64xi32>
    %reduce_min3A_328 = vector.multi_reduction <minsi>, %select_n3A_326, %reduce_min3A_327 [1] : vector<64x256xi32> to vector<64xi32>
    %broadcast_in_dim3A_329 = vector.shape_cast %reduce_min3A_328 : vector<64xi32> to vector<64x1xi32>
    %eq3A_330 = vector.broadcast %broadcast_in_dim3A_329 : vector<64x1xi32> to vector<64x256xi32>
    %eq3A_331 = arith.cmpi eq, %iota3A_32, %eq3A_330 : vector<64x256xi32>
    %jit3A_332 = arith.constant -1 : i32
    %broadcast_in_dim3A_333 = vector.broadcast %jit3A_332 : i32 to vector<64x256xi32>
    %select_n3A_334 = arith.select %eq3A_331, %get3A_31, %broadcast_in_dim3A_333 : vector<64x256xi1>, vector<64x256xi32>
    %reduce_max3A_335 = arith.constant dense<-2147483648> : vector<64xi32>
    %reduce_max3A_336 = vector.multi_reduction <maxsi>, %select_n3A_334, %reduce_max3A_335 [1] : vector<64x256xi32> to vector<64xi32>
    %broadcast_in_dim3A_337 = vector.shape_cast %reduce_max3A_336 : vector<64xi32> to vector<64x1xi32>
    %eq3A_338 = vector.broadcast %broadcast_in_dim3A_329 : vector<64x1xi32> to vector<64x256xi32>
    %eq3A_339 = arith.cmpi eq, %iota3A_32, %eq3A_338 : vector<64x256xi32>
    %jit3A_340 = arith.constant -3.000000e+38 : f32
    %broadcast_in_dim3A_341 = vector.broadcast %jit3A_340 : f32 to vector<64x256xf32>
    %select_n3A_342 = arith.select %eq3A_339, %broadcast_in_dim3A_341, %select_n3A_318 : vector<64x256xi1>, vector<64x256xf32>
    %reduce_max3A_343 = arith.constant dense<0xFF800000> : vector<64xf32>
    %reduce_max3A_344 = vector.multi_reduction <maximumf>, %select_n3A_342, %reduce_max3A_343 [1] : vector<64x256xf32> to vector<64xf32>
    %broadcast_in_dim3A_345 = vector.shape_cast %reduce_max3A_344 : vector<64xf32> to vector<64x1xf32>
    %eq3A_346 = vector.broadcast %broadcast_in_dim3A_345 : vector<64x1xf32> to vector<64x256xf32>
    %eq3A_347 = arith.cmpf oeq, %select_n3A_342, %eq3A_346 : vector<64x256xf32>
    %jit3A_348 = arith.constant 256 : i32
    %broadcast_in_dim3A_349 = vector.broadcast %jit3A_348 : i32 to vector<64x256xi32>
    %select_n3A_350 = arith.select %eq3A_347, %iota3A_32, %broadcast_in_dim3A_349 : vector<64x256xi1>, vector<64x256xi32>
    %reduce_min3A_351 = arith.constant dense<2147483647> : vector<64xi32>
    %reduce_min3A_352 = vector.multi_reduction <minsi>, %select_n3A_350, %reduce_min3A_351 [1] : vector<64x256xi32> to vector<64xi32>
    %broadcast_in_dim3A_353 = vector.shape_cast %reduce_min3A_352 : vector<64xi32> to vector<64x1xi32>
    %eq3A_354 = vector.broadcast %broadcast_in_dim3A_353 : vector<64x1xi32> to vector<64x256xi32>
    %eq3A_355 = arith.cmpi eq, %iota3A_32, %eq3A_354 : vector<64x256xi32>
    %jit3A_356 = arith.constant -1 : i32
    %broadcast_in_dim3A_357 = vector.broadcast %jit3A_356 : i32 to vector<64x256xi32>
    %select_n3A_358 = arith.select %eq3A_355, %get3A_31, %broadcast_in_dim3A_357 : vector<64x256xi1>, vector<64x256xi32>
    %reduce_max3A_359 = arith.constant dense<-2147483648> : vector<64xi32>
    %reduce_max3A_360 = vector.multi_reduction <maxsi>, %select_n3A_358, %reduce_max3A_359 [1] : vector<64x256xi32> to vector<64xi32>
    %broadcast_in_dim3A_361 = vector.shape_cast %reduce_max3A_360 : vector<64xi32> to vector<64x1xi32>
    %eq3A_362 = vector.broadcast %broadcast_in_dim3A_353 : vector<64x1xi32> to vector<64x256xi32>
    %eq3A_363 = arith.cmpi eq, %iota3A_32, %eq3A_362 : vector<64x256xi32>
    %jit3A_364 = arith.constant -3.000000e+38 : f32
    %broadcast_in_dim3A_365 = vector.broadcast %jit3A_364 : f32 to vector<64x256xf32>
    %select_n3A_366 = arith.select %eq3A_363, %broadcast_in_dim3A_365, %select_n3A_342 : vector<64x256xi1>, vector<64x256xf32>
    %reduce_max3A_367 = arith.constant dense<0xFF800000> : vector<64xf32>
    %reduce_max3A_368 = vector.multi_reduction <maximumf>, %select_n3A_366, %reduce_max3A_367 [1] : vector<64x256xf32> to vector<64xf32>
    %broadcast_in_dim3A_369 = vector.shape_cast %reduce_max3A_368 : vector<64xf32> to vector<64x1xf32>
    %eq3A_370 = vector.broadcast %broadcast_in_dim3A_369 : vector<64x1xf32> to vector<64x256xf32>
    %eq3A_371 = arith.cmpf oeq, %select_n3A_366, %eq3A_370 : vector<64x256xf32>
    %jit3A_372 = arith.constant 256 : i32
    %broadcast_in_dim3A_373 = vector.broadcast %jit3A_372 : i32 to vector<64x256xi32>
    %select_n3A_374 = arith.select %eq3A_371, %iota3A_32, %broadcast_in_dim3A_373 : vector<64x256xi1>, vector<64x256xi32>
    %reduce_min3A_375 = arith.constant dense<2147483647> : vector<64xi32>
    %reduce_min3A_376 = vector.multi_reduction <minsi>, %select_n3A_374, %reduce_min3A_375 [1] : vector<64x256xi32> to vector<64xi32>
    %broadcast_in_dim3A_377 = vector.shape_cast %reduce_min3A_376 : vector<64xi32> to vector<64x1xi32>
    %eq3A_378 = vector.broadcast %broadcast_in_dim3A_377 : vector<64x1xi32> to vector<64x256xi32>
    %eq3A_379 = arith.cmpi eq, %iota3A_32, %eq3A_378 : vector<64x256xi32>
    %jit3A_380 = arith.constant -1 : i32
    %broadcast_in_dim3A_381 = vector.broadcast %jit3A_380 : i32 to vector<64x256xi32>
    %select_n3A_382 = arith.select %eq3A_379, %get3A_31, %broadcast_in_dim3A_381 : vector<64x256xi1>, vector<64x256xi32>
    %reduce_max3A_383 = arith.constant dense<-2147483648> : vector<64xi32>
    %reduce_max3A_384 = vector.multi_reduction <maxsi>, %select_n3A_382, %reduce_max3A_383 [1] : vector<64x256xi32> to vector<64xi32>
    %broadcast_in_dim3A_385 = vector.shape_cast %reduce_max3A_384 : vector<64xi32> to vector<64x1xi32>
    %eq3A_386 = vector.broadcast %broadcast_in_dim3A_377 : vector<64x1xi32> to vector<64x256xi32>
    %eq3A_387 = arith.cmpi eq, %iota3A_32, %eq3A_386 : vector<64x256xi32>
    %jit3A_388 = arith.constant -3.000000e+38 : f32
    %broadcast_in_dim3A_389 = vector.broadcast %jit3A_388 : f32 to vector<64x256xf32>
    %select_n3A_390 = arith.select %eq3A_387, %broadcast_in_dim3A_389, %select_n3A_366 : vector<64x256xi1>, vector<64x256xf32>
    %reduce_max3A_391 = arith.constant dense<0xFF800000> : vector<64xf32>
    %reduce_max3A_392 = vector.multi_reduction <maximumf>, %select_n3A_390, %reduce_max3A_391 [1] : vector<64x256xf32> to vector<64xf32>
    %broadcast_in_dim3A_393 = vector.shape_cast %reduce_max3A_392 : vector<64xf32> to vector<64x1xf32>
    %eq3A_394 = vector.broadcast %broadcast_in_dim3A_393 : vector<64x1xf32> to vector<64x256xf32>
    %eq3A_395 = arith.cmpf oeq, %select_n3A_390, %eq3A_394 : vector<64x256xf32>
    %jit3A_396 = arith.constant 256 : i32
    %broadcast_in_dim3A_397 = vector.broadcast %jit3A_396 : i32 to vector<64x256xi32>
    %select_n3A_398 = arith.select %eq3A_395, %iota3A_32, %broadcast_in_dim3A_397 : vector<64x256xi1>, vector<64x256xi32>
    %reduce_min3A_399 = arith.constant dense<2147483647> : vector<64xi32>
    %reduce_min3A_400 = vector.multi_reduction <minsi>, %select_n3A_398, %reduce_min3A_399 [1] : vector<64x256xi32> to vector<64xi32>
    %broadcast_in_dim3A_401 = vector.shape_cast %reduce_min3A_400 : vector<64xi32> to vector<64x1xi32>
    %eq3A_402 = vector.broadcast %broadcast_in_dim3A_401 : vector<64x1xi32> to vector<64x256xi32>
    %eq3A_403 = arith.cmpi eq, %iota3A_32, %eq3A_402 : vector<64x256xi32>
    %jit3A_404 = arith.constant -1 : i32
    %broadcast_in_dim3A_405 = vector.broadcast %jit3A_404 : i32 to vector<64x256xi32>
    %select_n3A_406 = arith.select %eq3A_403, %get3A_31, %broadcast_in_dim3A_405 : vector<64x256xi1>, vector<64x256xi32>
    %reduce_max3A_407 = arith.constant dense<-2147483648> : vector<64xi32>
    %reduce_max3A_408 = vector.multi_reduction <maxsi>, %select_n3A_406, %reduce_max3A_407 [1] : vector<64x256xi32> to vector<64xi32>
    %broadcast_in_dim3A_409 = vector.shape_cast %reduce_max3A_408 : vector<64xi32> to vector<64x1xi32>
    %concatenate3A_410 = tpu.concatenate %broadcast_in_dim3A_34, %broadcast_in_dim3A_57, %broadcast_in_dim3A_81, %broadcast_in_dim3A_105, %broadcast_in_dim3A_129, %broadcast_in_dim3A_153, %broadcast_in_dim3A_177, %broadcast_in_dim3A_201, %broadcast_in_dim3A_225, %broadcast_in_dim3A_249, %broadcast_in_dim3A_273, %broadcast_in_dim3A_297, %broadcast_in_dim3A_321, %broadcast_in_dim3A_345, %broadcast_in_dim3A_369, %broadcast_in_dim3A_393 in 1 : vector<64x1xf32>, vector<64x1xf32>, vector<64x1xf32>, vector<64x1xf32>, vector<64x1xf32>, vector<64x1xf32>, vector<64x1xf32>, vector<64x1xf32>, vector<64x1xf32>, vector<64x1xf32>, vector<64x1xf32>, vector<64x1xf32>, vector<64x1xf32>, vector<64x1xf32>, vector<64x1xf32>, vector<64x1xf32> -> vector<64x16xf32>
    %reduce_max3A_411 = arith.constant dense<0xFF800000> : vector<64xf32>
    %reduce_max3A_412 = vector.multi_reduction <maximumf>, %concatenate3A_410, %reduce_max3A_411 [1] : vector<64x16xf32> to vector<64xf32>
    %broadcast_in_dim3A_413 = vector.shape_cast %reduce_max3A_412 : vector<64xf32> to vector<64x1xf32>
    %sub3A = vector.broadcast %broadcast_in_dim3A_413 : vector<64x1xf32> to vector<64x16xf32>
    %sub3A_414 = arith.subf %concatenate3A_410, %sub3A : vector<64x16xf32>
    %exp3A = math.exp %sub3A_414 : vector<64x16xf32>
    %reduce_sum3A_415 = arith.constant dense<0.000000e+00> : vector<64xf32>
    %reduce_sum3A_416 = vector.multi_reduction <add>, %exp3A, %reduce_sum3A_415 [1] : vector<64x16xf32> to vector<64xf32>
    %broadcast_in_dim3A_417 = vector.shape_cast %reduce_sum3A_416 : vector<64xf32> to vector<64x1xf32>
    %div3A = vector.broadcast %broadcast_in_dim3A_417 : vector<64x1xf32> to vector<64x16xf32>
    %div3A_418 = arith.divf %exp3A, %div3A : vector<64x16xf32>
    %swap3A = arith.constant 0 : index
    %swap3A_419 = arith.constant 0 : index
    %swap3A_420 = vector.load %arg5[%swap3A, %swap3A_419] : memref<64x16xf32, #tpu.memory_space<vmem>>, vector<64x16xf32>
    tpu.vector_store %arg5[%swap3A, %swap3A_419], %div3A_418 {strides = array<i32>} : memref<64x16xf32, #tpu.memory_space<vmem>>, vector<64x16xf32>,
    %concatenate3A_421 = tpu.concatenate %broadcast_in_dim3A_49, %broadcast_in_dim3A_73, %broadcast_in_dim3A_97, %broadcast_in_dim3A_121, %broadcast_in_dim3A_145, %broadcast_in_dim3A_169, %broadcast_in_dim3A_193, %broadcast_in_dim3A_217, %broadcast_in_dim3A_241, %broadcast_in_dim3A_265, %broadcast_in_dim3A_289, %broadcast_in_dim3A_313, %broadcast_in_dim3A_337, %broadcast_in_dim3A_361, %broadcast_in_dim3A_385, %broadcast_in_dim3A_409 in 1 : vector<64x1xi32>, vector<64x1xi32>, vector<64x1xi32>, vector<64x1xi32>, vector<64x1xi32>, vector<64x1xi32>, vector<64x1xi32>, vector<64x1xi32>, vector<64x1xi32>, vector<64x1xi32>, vector<64x1xi32>, vector<64x1xi32>, vector<64x1xi32>, vector<64x1xi32>, vector<64x1xi32>, vector<64x1xi32> -> vector<64x16xi32>
    %swap3A_422 = arith.constant 0 : index
    %swap3A_423 = arith.constant 0 : index
    %swap3A_424 = vector.load %arg6[%swap3A_422, %swap3A_423] : memref<64x16xi32, #tpu.memory_space<vmem>>, vector<64x16xi32>
    tpu.vector_store %arg6[%swap3A_422, %swap3A_423], %concatenate3A_421 {strides = array<i32>} : memref<64x16xi32, #tpu.memory_space<vmem>>, vector<64x16xi32>,
    return
  }
  func.func @transform_0(%arg0: i32) -> (i32, i32) {
    %c0_i32 = arith.constant 0 : i32
    %c0_i32_0 = arith.constant 0 : i32
    return %arg0, %c0_i32 : i32, i32
  }
  func.func @transform_1(%arg0: i32) -> (i32, i32) {
    %c0_i32 = arith.constant 0 : i32
    %c0_i32_0 = arith.constant 0 : i32
    return %arg0, %c0_i32 : i32, i32
  }
  func.func @transform_2(%arg0: i32) -> (i32, i32) {
    %c0_i32 = arith.constant 0 : i32
    %c0_i32_0 = arith.constant 0 : i32
    return %arg0, %c0_i32 : i32, i32
  }
  func.func @transform_3(%arg0: i32) -> (i32, i32) {
    %c0_i32 = arith.constant 0 : i32
    %c0_i32_0 = arith.constant 0 : i32
    return %arg0, %c0_i32 : i32, i32
  }
  func.func @transform_4(%arg0: i32) -> (i32, i32) {
    %c0_i32 = arith.constant 0 : i32
    %c0_i32_0 = arith.constant 0 : i32
    return %arg0, %c0_i32 : i32, i32
  }
  func.func @transform_5(%arg0: i32) -> (i32, i32) {
    %c0_i32 = arith.constant 0 : i32
    %c0_i32_0 = arith.constant 0 : i32
    return %arg0, %c0_i32 : i32, i32
  }
}

module attributes {stable_mosaic.version = 14 : i64} {
  func.func @_wsum_body(%arg0: memref<16384x128xf32, #tpu.memory_space<vmem>>, %arg1: memref<1024x16xf32, #tpu.memory_space<vmem>>, %arg2: memref<1024x128xf32, #tpu.memory_space<vmem>>) attributes {dimension_semantics = [], scalar_prefetch = 0 : i64, scratch_operands = 0 : i64, tpu.core_type = #tpu.core_type<tc>} {
    %get3A = arith.constant 0 : index
    %get3A_0 = arith.constant 0 : index
    %get3A_1 = vector.load %arg1[%get3A, %get3A_0] : memref<1024x16xf32, #tpu.memory_space<vmem>>, vector<1024x16xf32>
    %slice3A = vector.extract_strided_slice %get3A_1 {offsets = [0, 0], sizes = [1024, 1], strides = [1, 1]} : vector<1024x16xf32> to vector<1024x1xf32>
    %get3A_2 = arith.constant 0 : index
    %get3A_3 = arith.constant 0 : index
    %get3A_4 = vector.load %arg0[%get3A_2, %get3A_3] : memref<16384x128xf32, #tpu.memory_space<vmem>>, vector<1024x128xf32>
    %mul3A = vector.broadcast %slice3A : vector<1024x1xf32> to vector<1024x128xf32>
    %mul3A_5 = arith.mulf %mul3A, %get3A_4 : vector<1024x128xf32>
    %slice3A_6 = vector.extract_strided_slice %get3A_1 {offsets = [0, 1], sizes = [1024, 1], strides = [1, 1]} : vector<1024x16xf32> to vector<1024x1xf32>
    %get3A_7 = arith.constant 1024 : index
    %get3A_8 = arith.constant 0 : index
    %get3A_9 = vector.load %arg0[%get3A_7, %get3A_8] : memref<16384x128xf32, #tpu.memory_space<vmem>>, vector<1024x128xf32>
    %mul3A_10 = vector.broadcast %slice3A_6 : vector<1024x1xf32> to vector<1024x128xf32>
    %mul3A_11 = arith.mulf %mul3A_10, %get3A_9 : vector<1024x128xf32>
    %add3A = arith.addf %mul3A_5, %mul3A_11 : vector<1024x128xf32>
    %slice3A_12 = vector.extract_strided_slice %get3A_1 {offsets = [0, 2], sizes = [1024, 1], strides = [1, 1]} : vector<1024x16xf32> to vector<1024x1xf32>
    %get3A_13 = arith.constant 2048 : index
    %get3A_14 = arith.constant 0 : index
    %get3A_15 = vector.load %arg0[%get3A_13, %get3A_14] : memref<16384x128xf32, #tpu.memory_space<vmem>>, vector<1024x128xf32>
    %mul3A_16 = vector.broadcast %slice3A_12 : vector<1024x1xf32> to vector<1024x128xf32>
    %mul3A_17 = arith.mulf %mul3A_16, %get3A_15 : vector<1024x128xf32>
    %add3A_18 = arith.addf %add3A, %mul3A_17 : vector<1024x128xf32>
    %slice3A_19 = vector.extract_strided_slice %get3A_1 {offsets = [0, 3], sizes = [1024, 1], strides = [1, 1]} : vector<1024x16xf32> to vector<1024x1xf32>
    %get3A_20 = arith.constant 3072 : index
    %get3A_21 = arith.constant 0 : index
    %get3A_22 = vector.load %arg0[%get3A_20, %get3A_21] : memref<16384x128xf32, #tpu.memory_space<vmem>>, vector<1024x128xf32>
    %mul3A_23 = vector.broadcast %slice3A_19 : vector<1024x1xf32> to vector<1024x128xf32>
    %mul3A_24 = arith.mulf %mul3A_23, %get3A_22 : vector<1024x128xf32>
    %add3A_25 = arith.addf %add3A_18, %mul3A_24 : vector<1024x128xf32>
    %slice3A_26 = vector.extract_strided_slice %get3A_1 {offsets = [0, 4], sizes = [1024, 1], strides = [1, 1]} : vector<1024x16xf32> to vector<1024x1xf32>
    %get3A_27 = arith.constant 4096 : index
    %get3A_28 = arith.constant 0 : index
    %get3A_29 = vector.load %arg0[%get3A_27, %get3A_28] : memref<16384x128xf32, #tpu.memory_space<vmem>>, vector<1024x128xf32>
    %mul3A_30 = vector.broadcast %slice3A_26 : vector<1024x1xf32> to vector<1024x128xf32>
    %mul3A_31 = arith.mulf %mul3A_30, %get3A_29 : vector<1024x128xf32>
    %add3A_32 = arith.addf %add3A_25, %mul3A_31 : vector<1024x128xf32>
    %slice3A_33 = vector.extract_strided_slice %get3A_1 {offsets = [0, 5], sizes = [1024, 1], strides = [1, 1]} : vector<1024x16xf32> to vector<1024x1xf32>
    %get3A_34 = arith.constant 5120 : index
    %get3A_35 = arith.constant 0 : index
    %get3A_36 = vector.load %arg0[%get3A_34, %get3A_35] : memref<16384x128xf32, #tpu.memory_space<vmem>>, vector<1024x128xf32>
    %mul3A_37 = vector.broadcast %slice3A_33 : vector<1024x1xf32> to vector<1024x128xf32>
    %mul3A_38 = arith.mulf %mul3A_37, %get3A_36 : vector<1024x128xf32>
    %add3A_39 = arith.addf %add3A_32, %mul3A_38 : vector<1024x128xf32>
    %slice3A_40 = vector.extract_strided_slice %get3A_1 {offsets = [0, 6], sizes = [1024, 1], strides = [1, 1]} : vector<1024x16xf32> to vector<1024x1xf32>
    %get3A_41 = arith.constant 6144 : index
    %get3A_42 = arith.constant 0 : index
    %get3A_43 = vector.load %arg0[%get3A_41, %get3A_42] : memref<16384x128xf32, #tpu.memory_space<vmem>>, vector<1024x128xf32>
    %mul3A_44 = vector.broadcast %slice3A_40 : vector<1024x1xf32> to vector<1024x128xf32>
    %mul3A_45 = arith.mulf %mul3A_44, %get3A_43 : vector<1024x128xf32>
    %add3A_46 = arith.addf %add3A_39, %mul3A_45 : vector<1024x128xf32>
    %slice3A_47 = vector.extract_strided_slice %get3A_1 {offsets = [0, 7], sizes = [1024, 1], strides = [1, 1]} : vector<1024x16xf32> to vector<1024x1xf32>
    %get3A_48 = arith.constant 7168 : index
    %get3A_49 = arith.constant 0 : index
    %get3A_50 = vector.load %arg0[%get3A_48, %get3A_49] : memref<16384x128xf32, #tpu.memory_space<vmem>>, vector<1024x128xf32>
    %mul3A_51 = vector.broadcast %slice3A_47 : vector<1024x1xf32> to vector<1024x128xf32>
    %mul3A_52 = arith.mulf %mul3A_51, %get3A_50 : vector<1024x128xf32>
    %add3A_53 = arith.addf %add3A_46, %mul3A_52 : vector<1024x128xf32>
    %slice3A_54 = vector.extract_strided_slice %get3A_1 {offsets = [0, 8], sizes = [1024, 1], strides = [1, 1]} : vector<1024x16xf32> to vector<1024x1xf32>
    %get3A_55 = arith.constant 8192 : index
    %get3A_56 = arith.constant 0 : index
    %get3A_57 = vector.load %arg0[%get3A_55, %get3A_56] : memref<16384x128xf32, #tpu.memory_space<vmem>>, vector<1024x128xf32>
    %mul3A_58 = vector.broadcast %slice3A_54 : vector<1024x1xf32> to vector<1024x128xf32>
    %mul3A_59 = arith.mulf %mul3A_58, %get3A_57 : vector<1024x128xf32>
    %add3A_60 = arith.addf %add3A_53, %mul3A_59 : vector<1024x128xf32>
    %slice3A_61 = vector.extract_strided_slice %get3A_1 {offsets = [0, 9], sizes = [1024, 1], strides = [1, 1]} : vector<1024x16xf32> to vector<1024x1xf32>
    %get3A_62 = arith.constant 9216 : index
    %get3A_63 = arith.constant 0 : index
    %get3A_64 = vector.load %arg0[%get3A_62, %get3A_63] : memref<16384x128xf32, #tpu.memory_space<vmem>>, vector<1024x128xf32>
    %mul3A_65 = vector.broadcast %slice3A_61 : vector<1024x1xf32> to vector<1024x128xf32>
    %mul3A_66 = arith.mulf %mul3A_65, %get3A_64 : vector<1024x128xf32>
    %add3A_67 = arith.addf %add3A_60, %mul3A_66 : vector<1024x128xf32>
    %slice3A_68 = vector.extract_strided_slice %get3A_1 {offsets = [0, 10], sizes = [1024, 1], strides = [1, 1]} : vector<1024x16xf32> to vector<1024x1xf32>
    %get3A_69 = arith.constant 10240 : index
    %get3A_70 = arith.constant 0 : index
    %get3A_71 = vector.load %arg0[%get3A_69, %get3A_70] : memref<16384x128xf32, #tpu.memory_space<vmem>>, vector<1024x128xf32>
    %mul3A_72 = vector.broadcast %slice3A_68 : vector<1024x1xf32> to vector<1024x128xf32>
    %mul3A_73 = arith.mulf %mul3A_72, %get3A_71 : vector<1024x128xf32>
    %add3A_74 = arith.addf %add3A_67, %mul3A_73 : vector<1024x128xf32>
    %slice3A_75 = vector.extract_strided_slice %get3A_1 {offsets = [0, 11], sizes = [1024, 1], strides = [1, 1]} : vector<1024x16xf32> to vector<1024x1xf32>
    %get3A_76 = arith.constant 11264 : index
    %get3A_77 = arith.constant 0 : index
    %get3A_78 = vector.load %arg0[%get3A_76, %get3A_77] : memref<16384x128xf32, #tpu.memory_space<vmem>>, vector<1024x128xf32>
    %mul3A_79 = vector.broadcast %slice3A_75 : vector<1024x1xf32> to vector<1024x128xf32>
    %mul3A_80 = arith.mulf %mul3A_79, %get3A_78 : vector<1024x128xf32>
    %add3A_81 = arith.addf %add3A_74, %mul3A_80 : vector<1024x128xf32>
    %slice3A_82 = vector.extract_strided_slice %get3A_1 {offsets = [0, 12], sizes = [1024, 1], strides = [1, 1]} : vector<1024x16xf32> to vector<1024x1xf32>
    %get3A_83 = arith.constant 12288 : index
    %get3A_84 = arith.constant 0 : index
    %get3A_85 = vector.load %arg0[%get3A_83, %get3A_84] : memref<16384x128xf32, #tpu.memory_space<vmem>>, vector<1024x128xf32>
    %mul3A_86 = vector.broadcast %slice3A_82 : vector<1024x1xf32> to vector<1024x128xf32>
    %mul3A_87 = arith.mulf %mul3A_86, %get3A_85 : vector<1024x128xf32>
    %add3A_88 = arith.addf %add3A_81, %mul3A_87 : vector<1024x128xf32>
    %slice3A_89 = vector.extract_strided_slice %get3A_1 {offsets = [0, 13], sizes = [1024, 1], strides = [1, 1]} : vector<1024x16xf32> to vector<1024x1xf32>
    %get3A_90 = arith.constant 13312 : index
    %get3A_91 = arith.constant 0 : index
    %get3A_92 = vector.load %arg0[%get3A_90, %get3A_91] : memref<16384x128xf32, #tpu.memory_space<vmem>>, vector<1024x128xf32>
    %mul3A_93 = vector.broadcast %slice3A_89 : vector<1024x1xf32> to vector<1024x128xf32>
    %mul3A_94 = arith.mulf %mul3A_93, %get3A_92 : vector<1024x128xf32>
    %add3A_95 = arith.addf %add3A_88, %mul3A_94 : vector<1024x128xf32>
    %slice3A_96 = vector.extract_strided_slice %get3A_1 {offsets = [0, 14], sizes = [1024, 1], strides = [1, 1]} : vector<1024x16xf32> to vector<1024x1xf32>
    %get3A_97 = arith.constant 14336 : index
    %get3A_98 = arith.constant 0 : index
    %get3A_99 = vector.load %arg0[%get3A_97, %get3A_98] : memref<16384x128xf32, #tpu.memory_space<vmem>>, vector<1024x128xf32>
    %mul3A_100 = vector.broadcast %slice3A_96 : vector<1024x1xf32> to vector<1024x128xf32>
    %mul3A_101 = arith.mulf %mul3A_100, %get3A_99 : vector<1024x128xf32>
    %add3A_102 = arith.addf %add3A_95, %mul3A_101 : vector<1024x128xf32>
    %slice3A_103 = vector.extract_strided_slice %get3A_1 {offsets = [0, 15], sizes = [1024, 1], strides = [1, 1]} : vector<1024x16xf32> to vector<1024x1xf32>
    %get3A_104 = arith.constant 15360 : index
    %get3A_105 = arith.constant 0 : index
    %get3A_106 = vector.load %arg0[%get3A_104, %get3A_105] : memref<16384x128xf32, #tpu.memory_space<vmem>>, vector<1024x128xf32>
    %mul3A_107 = vector.broadcast %slice3A_103 : vector<1024x1xf32> to vector<1024x128xf32>
    %mul3A_108 = arith.mulf %mul3A_107, %get3A_106 : vector<1024x128xf32>
    %add3A_109 = arith.addf %add3A_102, %mul3A_108 : vector<1024x128xf32>
    %swap3A = arith.constant 0 : index
    %swap3A_110 = arith.constant 0 : index
    %swap3A_111 = vector.load %arg2[%swap3A, %swap3A_110] : memref<1024x128xf32, #tpu.memory_space<vmem>>, vector<1024x128xf32>
    tpu.vector_store %arg2[%swap3A, %swap3A_110], %add3A_109 {strides = array<i32>} : memref<1024x128xf32, #tpu.memory_space<vmem>>, vector<1024x128xf32>,
    return
  }
}

</mosaic_0001>

<sc_bundles>
// kernel: kernel.12.cloned.1.call-start
scs
__scs_entry_jumppad:
0x0: {  	(pc) =	sbr.rel $0x88, $3  }
0x1: {  	(tag) =	ssettag $0x0;
	lr =	simm.s32 $0x1  }
0x2: {  	[smem:$0x3F98] =	sst lr;
	_ =	strace $0xD0000000  }
0x3: {  	_ = 	snop  }
0x4: {  	_ = 	snop  }
0x5: {  	_ = 	snop  }
0x6: {  	_ = 	snop  }
0x7: {  	_ = 	snop  }
__scs_overlays_trampoline_lowered:
0x8: {  	[smem:$0x3FA7] =	sst s0  }
0x9: {  	[smem:$0x3FA8] =	sst s1  }
0xa: {  	[smem:$0x3FA9] =	sst s2  }
0xb: {  	[smem:$0x3FAA] =	sst s3  }
0xc: {  	[smem:$0x3FAB] =	sst s4  }
0xd: {  	[smem:$0x3FAC] =	sst s5  }
0xe: {  	[smem:$0x3FAD] =	sst s6  }
0xf: {  	[smem:$0x3FAE] =	sst s7  }
0x10: {  	[smem:$0x3FAF] =	sst s8  }
0x11: {  	[smem:$0x3FB0] =	sst s9;
	s0 =	simm.s32 @!p0 $0x0  }
0x12: {  	s1 =	sld [smem:$0x3F96];
	s0 =	simm.s32 @p0 $0x1  }
0x13: {  	[smem:$0x3FB1] =	sst s0;
	s0 =	simm.s32 @!p1 $0x0  }
0x14: {  	s2 =	sld [smem:$0x3F95];
	s0 =	simm.s32 @p1 $0x1  }
0x15: {  	[smem:$0x3FB2] =	sst s0;
	s0 =	simm.s32 @!p2 $0x0  }
0x16: {  	s3 =	sld [smem:$0x3FDB];
	s0 =	simm.s32 @p2 $0x1  }
0x17: {  	s4 =	simm.s32 $0x1BF5;
	[smem:$0x3FB4] =	sst s0  }
0x18: {  	s0 =	sld [smem:$0x3F97];
	_ =	swait.ge [sflag:s4], $0x0  }
0x19: {  	s7 =	sld [smem:$0x3F98]  }
0x1a: {  	s8 =	sadd.s32 $0xFFFFE003, lr  }
0x1b: {  	s9 =	sadd.s32 $0xFFFFFEF7, lr;
	s5 =	simm.s32 $0xFFFFFFFF;
	p2 =	slt.u32 s8, $0xFFFFF086  }
0x1c: {  	p1 =	slt.u32 s9, $0xF7A;
	s5 =	simm.s32 @!p2 $0x0  }
0x1d: {  	s5 =	simm.s32 @p1 $0x1;
	p0 =	seq.s32 s7, s2  }
0x1e: {  	s7 =	smul.u32 @!p0 $0xF7A, s2;
	p2 =	seq.s32 @!p0 s5, $0x0  }
0x1f: {  	s9 =	smul.u32 $0xF7A, s1;
	s8 =	simm.s32 @!p0 $0x1BF5;
	p2 =	por !p2, p0  }
0x20: {  	[sflag:s8] =	ssyncset.s32 @!p0 $0xFFFFF086;
	s6 =	sadd.s32 @!p0 s3, s7;
	s7 =	simm.s32 @!p0 $0x108  }
0x21: {  	s3 =	sadd.s32 s3, s9;
	s6 =	sadd.s32 @!p0 $0x88, s6;
	s7 =	simm.s32 @p2 $0x1082  }
0x22: {  	[simem:s7], [sflag:s8] =	dma.local @!p0 [hbm:s6], $0xF7A  }
0x23: {  	s9 =	sor.u32 $0xD0000000, s2;
	s6 =	simm.s32 $0x108;
	_ =	swait.ge @!p0 [sflag:s8], $0x0  }
0x24: {  	s3 =	sadd.s32 $0x88, s3;
	s6 =	simm.s32 @!p1 $0x1082;
	[sflag:s4] =	ssyncset.s32 $0xFFFFF086  }
0x25: {  	[simem:s6], [sflag:s4] =	dma.local [hbm:s3], $0xF7A  }
0x26: {  	[smem:$0x3F98] =	sst s1;
	(tag) =	ssettag s2;
	_ =	strace s9  }
0x27: {  	s1 =	sld [smem:$0x3FA8]  }
0x28: {  	s2 =	sld [smem:$0x3FA9]  }
0x29: {  	s4 =	sld [smem:$0x3FAB]  }
0x2a: {  	p0 =	seq.s32 s5, $0x0;
	s5 =	sld [smem:$0x3FAC]  }
0x2b: {  	s6 =	sld [smem:$0x3FAD]  }
0x2c: {  	s7 =	sld [smem:$0x3FAE]  }
0x2d: {  	s3 =	simm.s32 $0x108;
	s8 =	sld [smem:$0x3FAF]  }
0x2e: {  	s3 =	simm.s32 @!p0 $0x1082;
	s9 =	sld [smem:$0x3FB0]  }
0x2f: {  	lr =	sadd.s32 s0, s3;
	s0 =	sld [smem:$0x3FA7]  }
0x30: {  	s3 =	sld [smem:$0x3FAA]  }
0x31: {  	[smem:$0x3FB3] =	sst s10  }
0x32: {  	s10 =	sld [smem:$0x3FB1];
	_ =	sdelay $0x3  }
0x33: {  	p0 =	seq.s32 s10, $0x1;
	s10 =	sld [smem:$0x3FB3];
	_ =	sdelay $0x3  }
0x34: {  	[smem:$0x3FB3] =	sst s10  }
0x35: {  	s10 =	sld [smem:$0x3FB2];
	_ =	sdelay $0x3  }
0x36: {  	p1 =	seq.s32 s10, $0x1;
	s10 =	sld [smem:$0x3FB3];
	_ =	sdelay $0x3  }
0x37: {  	[smem:$0x3FB3] =	sst s10  }
0x38: {  	s10 =	sld [smem:$0x3FB4]  }
0x39: {  	_ = 	snop;
	(pc) =	sbr.ind lr, $3  }
0x3a: {  	_ = 	snop  }
0x3b: {  	_ = 	snop  }
0x3c: {  	p2 =	seq.s32 s10, $0x1;
	s10 =	sld [smem:$0x3FB3]  }
0x3d: {  	_ =	shalt  }
0x3e: {  	_ =	shalt  }
0x3f: {  	_ =	shalt  }
0x40: {  	_ =	shalt  }
0x41: {  	_ =	shalt  }
0x42: {  	_ =	shalt  }
0x43: {  	_ =	shalt  }
0x44: {  	_ =	shalt  }
0x45: {  	_ =	shalt  }
0x46: {  	_ =	shalt  }
0x47: {  	_ =	shalt  }
0x48: {  	_ =	shalt  }
0x49: {  	_ =	shalt  }
0x4a: {  	_ =	shalt  }
0x4b: {  	_ =	shalt  }
0x4c: {  	_ =	shalt  }
0x4d: {  	_ =	shalt  }
0x4e: {  	_ =	shalt  }
0x4f: {  	_ =	shalt  }
0x50: {  	_ =	shalt  }
0x51: {  	_ =	shalt  }
0x52: {  	_ =	shalt  }
0x53: {  	_ =	shalt  }
0x54: {  	_ =	shalt  }
0x55: {  	_ =	shalt  }
0x56: {  	_ =	shalt  }
0x57: {  	_ =	shalt  }
0x58: {  	_ =	shalt  }
0x59: {  	_ =	shalt  }
0x5a: {  	_ =	shalt  }
0x5b: {  	_ =	shalt  }
0x5c: {  	_ =	shalt  }
0x5d: {  	_ =	shalt  }
0x5e: {  	_ =	shalt  }
0x5f: {  	_ =	shalt  }
0x60: {  	_ =	shalt  }
0x61: {  	_ =	shalt  }
0x62: {  	_ =	shalt  }
0x63: {  	_ =	shalt  }
0x64: {  	_ =	shalt  }
0x65: {  	_ =	shalt  }
0x66: {  	_ =	shalt  }
0x67: {  	_ =	shalt  }
0x68: {  	_ =	shalt  }
0x69: {  	_ =	shalt  }
0x6a: {  	_ =	shalt  }
0x6b: {  	_ =	shalt  }
0x6c: {  	_ =	shalt  }
0x6d: {  	_ =	shalt  }
0x6e: {  	_ =	shalt  }
0x6f: {  	_ =	shalt  }
0x70: {  	_ =	shalt  }
0x71: {  	_ =	shalt  }
0x72: {  	_ =	shalt  }
0x73: {  	_ =	shalt  }
0x74: {  	_ =	shalt  }
0x75: {  	_ =	shalt  }
0x76: {  	_ =	shalt  }
0x77: {  	_ =	shalt  }
0x78: {  	_ =	shalt  }
0x79: {  	_ =	shalt  }
0x7a: {  	_ =	shalt  }
0x7b: {  	_ =	shalt  }
0x7c: {  	_ =	shalt  }
0x7d: {  	_ =	shalt  }
0x7e: {  	_ =	shalt  }
0x7f: {  	_ =	shalt  }
0x80: {  	_ =	shalt  }
0x81: {  	_ =	shalt  }
0x82: {  	_ =	shalt  }
0x83: {  	_ =	shalt  }
0x84: {  	_ =	shalt  }
0x85: {  	_ =	shalt  }
0x86: {  	_ =	shalt  }
0x87: {  	_ =	shalt  }
.Lfunc_end0:
.L_simem_size_0:
called_computation.1_lowered:
.L_overlay_start_0:
0x88: {  	s2 =	sld [smem:$0x3FD9]  }
0x89: {  	s3 =	sld [smem:$0x3FFE];
	_ =	sdelay $0x1  }
0x8a: {  	s1 =	srdreg.scid  }
0x8b: {  	s0 =	sand.u32 $0x1, s1  }
0x8c: {  	s16 =	sshll.u32 s0, $0xA;
	s2 =	sadd.s32 s3, s2  }
0x8d: {  	s2 =	sadd.s32 s2, s16  }
0x8e: {  	[smem:$0x3FBF] =	sst s2  }
0x8f: {  	_ = 	snop  }
0x90: {  	(tm) =	ssettm $0x1  }
0x91: {  	s17 =	sld [smem:$0x3FFB];
	_ =	sdelay $0x3  }
0x92: {  	_ =	strace s17  }
0x93: {  	s2 =	sld [smem:$0x3FFC];
	_ =	sdelay $0x3  }
0x94: {  	_ =	strace s2  }
0x95: {  	s2 =	sld [smem:$0x3FFD];
	_ =	sdelay $0x3  }
0x96: {  	_ =	strace s2  }
0x97: {  	_ =	strace $0x8FFFFFFF  }
0x98: {  	s18 =	sld [smem:$0x3FDB];
	_ =	sdelay $0x1  }
0x99: {  	s19 =	simm.s32 $_scs_section_size  }
0x9a: {  	s4 =	simm.s32 $_size__tile_overlayer_lowered;
	s5 =	simm.s32 $_tile_overlayer_lowered  }
0x9b: {  	s22 =	simm.s32 $0x1BFF;
	s21 =	sshll.u32 s5, $0x1;
	s2 =	sadd.s32 s19, s18  }
0x9c: {  	s6 =	simm.s32 $0x0;
	s20 =	sshll.u32 s4, $0x1;
	s4 =	sadd.s32 s21, s2  }
0x9d: {  	[timem:s6], [sflag:s22] =	dma.local [hbm:s4], s20  }
0x9e: {  	_ =	swait.ge [sflag:s22], s20  }
0x9f: {  	s3 =	ssub.s32 $0x0, s20;
	[sflag:s22] =	ssyncset.done $0x0  }
0xa0: {  	[sflag:s22] =	ssyncadd.s32 s3;
	_ =	sdelay $0x1  }
0xa1: {  	s23 =	simm.s32 $0x1B8B  }
0xa2: {  	_ =	swait.ge [sflag:s23], $0x1  }
0xa3: {  	[sflag:s23] =	ssyncset.done $0x0  }
0xa4: {  	s25 =	simm.s32 $0x1B8E;
	s24 =	sld [smem:$0x3FFE];
	[sflag:s23] =	ssyncadd.s32 $0xFFFFFFFF  }
0xa5: {  	s26 =	simm.s32 $execute0_lowered;
	[smem:$0x3FD2] =	sst s25  }
0xa6: {  	s4 =	sshll.u32 s26, $0x1;
	_ =	strace $0x80000046;
	[dreg:$0x1] =	wrdreg $0xFFFFFFFF  }
0xa7: {  	s28 =	simm.s32 $_size_execute0_lowered;
	s2 =	sadd.s32 s2, s4;
	[dreg:$0x0] =	wrdreg $0x0  }
0xa8: {  	s4 =	sshll.u32 s28, $0x1;
	[dreg:$0x2] =	wrdreg s2  }
0xa9: {  	[dreg:$0x3] =	wrdreg s4  }
0xaa: {  	[dreg:$0x4] =	wrdreg $0xC0  }
0xab: {  	_ =	task [dreg:s6], $0x5FFFF  }
0xac: {  	[dreg:$0x1] =	wrdreg $0xFFFFFFFF  }
0xad: {  	[dreg:$0x0] =	wrdreg $0x60  }
0xae: {  	[dreg:$0x2] =	wrdreg s24  }
0xaf: {  	[dreg:$0x3] =	wrdreg $0xA  }
0xb0: {  	_ =	task.clear_ibuf [dreg:s6], $0x4FFFF;
	_ =	strace $0x90000046  }
0xb1: {  	s29 =	simm.s32 $0xA;
	_ =	strace $0x80000048  }
0xb2: {  	_ =	swait.ge [sflag:s29], $0x1  }
0xb3: {  	[sflag:s29] =	ssyncadd.s32 $0xFFFFFFFF  }
0xb4: {  	_ =	strace $0x90000048  }
0xb5: {  	_ =	sfence  }
0xb6: {  	s30 =	sld [smem:$0x0];
	_ =	sdelay $0x2  }
0xb7: {  	s31 =	sshll.u32 s1, $0xD;
	s1 =	sshrl.u32 s1, $0x2  }
0xb8: {  	s3 =	sand.u32 $0x4000, s31;
	s1 =	sadd.s32 s1, s30  }
0xb9: {  	s0 =	sor.u32 s3, s0;
	s1 =	sshll.u32 s1, $0x11  }
0xba: {  	s0 =	sor.u32 s1, s0  }
0xbb: {  	s0 =	sadd.s32 $0x8F2B, s0  }
0xbc: {  	[sflag:s0] =	ssyncadd.remote.s32 $0x1  }
0xbd: {  	_ =	sfence.sel $0xFFFF  }
0xbe: {  	[dreg:$0x0] =	wrdreg $0xFFFFFFFF;
	(pc) =	sbr.abs _section_cstart, $3  }
0xbf: {  	[dreg:$0x1] =	wrdreg $0xFFFFFFFF  }
0xc0: {  	_ =	task.clear_ibuf [dreg:s6], $0x2FFFF;
	_ =	strace $0x9FFFFFFF  }
0xc1: {  	(tm) =	ssettm $0x7FFFFFFF  }
tec
execute0_lowered:
.L_overlay_start_1:
0x0: {  	(tag) =	ssettag $0x1  }
0x1: {  	s1 =	srdreg.scid  }
0x2: {  	s0 =	stileid.u32;
	s5 =	rddreg [dreg:$0x0];
	s6 =	sand.u32 $0x1, s1  }
0x3: {  	s2 =	simm.s32 $0x0;
	s3 =	sshll.u32 s0, $0xB;
	s4 =	sshll.u32 s6, $0xA  }
0x4: {  	[smem:$0x7FF] =	sst s2;
	s3 =	sor.u32 s4, s3  }
0x5: {  	s1 =	rddreg [dreg:$0x1];
	_ =	strace $0x80000047;
	s8 =	sadd.s32 s3, s5  }
0x6: {  	s9 =	ssub.s32 $0x2, s6;
	s3 =	simm.s32 $0x2;
	s4 =	sadd.s32 $0x148A00, s8  }
0x7: {  	[tilespmem:s2], [sflag:$0x2] =	stream.linear.gather [hbm4b:s4+s2], $0x2000, $0x38;
	[tilespmem:$0x4000] =	vst v63  }
0x8: {  	s7 =	simm.s32 $0x1;
	s10 =	sshrl.u32 s9, $0x1;
	_ =	swait.ge [sflag:s3], $0x2000  }
0x9: {  	s6 =	simm.s32 $0x2000;
	s9 =	ssub.s32 s9, s10;
	[sflag:s3] =	ssyncset.done $0x0  }
0xa: {  	s5 =	sadd.s32 $0x18B400, s5;
	s9 =	smax.u32 s9, $0x1;
	[sflag:s3] =	ssyncadd.s32 $0xFFFFE000  }
0xb: {  	[tilespmem:s6], [sflag:$0x1] =	stream.indirect.gather [hbm4b:s5+s6], $0x1, s2, s6, $0xb8;
	[tilespmem:$0x4000] =	vst v63  }
0xc: {  	p0 =	sne.s32 s9, $0x1;
	_ =	swait.ge [sflag:s7], $0x2000  }
.Ltmp0:
0xd: {  	[sflag:s7] =	ssyncset.done $0x0;
	(pc) =	sbr.rel @!p0 .LBB2_2-.Ltmp0, $4  }
0xe: {  	s8 =	sadd.s32 $0x150A00, s8;
	[sflag:s7] =	ssyncadd.s32 $0xFFFFE000  }
0xf: {  	[hbm4b:s8+s2] =	stream.linear.scatter [tilespmem:s6], [sflag:$0x2], $0x2000, $0x38;
	[tilespmem:$0x4000] =	vst v63  }
0x10: {  	_ =	swait.ge [sflag:s3], $0x2000  }
0x11: {  	s9 =	sadd.s32 $0xFFFFFFFF, s9;
	[sflag:s3] =	ssyncset.done $0x0  }
.LBB2_1:
0x12: {  	p0 =	sne.s32 s9, $0x1;
	s9 =	sadd.s32 $0xFFFFFFFF, s9;
	[sflag:s3] =	ssyncadd.s32 $0xFFFFE000  }
0x13: {  	[tilespmem:s2], [sflag:$0x2] =	stream.linear.gather [hbm4b:s4+s2], $0x2000, $0x38;
	[tilespmem:$0x4000] =	vst v63  }
0x14: {  	_ =	swait.ge [sflag:s3], $0x2000  }
0x15: {  	[sflag:s3] =	ssyncset.done $0x0  }
0x16: {  	[sflag:s3] =	ssyncadd.s32 $0xFFFFE000  }
0x17: {  	[tilespmem:s6], [sflag:$0x1] =	stream.indirect.gather [hbm4b:s5+s6], $0x1, s2, s6, $0xb8;
	[tilespmem:$0x4000] =	vst v63  }
0x18: {  	_ =	swait.ge [sflag:s7], $0x2000  }
.Ltmp1:
0x19: {  	[sflag:s7] =	ssyncset.done $0x0;
	(pc) =	sbr.rel @p0 .LBB2_1-.Ltmp1, $4  }
0x1a: {  	[sflag:s7] =	ssyncadd.s32 $0xFFFFE000  }
0x1b: {  	[hbm4b:s8+s2] =	stream.linear.scatter [tilespmem:s6], [sflag:$0x2], $0x2000, $0x38;
	[tilespmem:$0x4000] =	vst v63  }
0x1c: {  	_ =	swait.ge [sflag:s3], $0x2000  }
0x1d: {  	[sflag:s3] =	ssyncset.done $0x0  }
.LBB2_2:
0x1e: {  	[sflag:s3] =	ssyncadd.s32 $0xFFFFE000  }
0x1f: {  	_ =	sfence.sel $0x180000  }
0x20: {  	[bflag:$0x0] =	sbarrier.arrive $0xFFFF  }
0x21: {  	p0 =	sne.s32 s0, $0x0;
	_ =	strace $0x90000047  }
0x22: {  	s0 =	sadd.s32 @!p0 $0x100000, s1;
	[bflag:$0x2] =	sbarrier.arrive $0xFFFF  }
0x23: {  	[sflag:s0] =	ssyncadd.tile.s32 @!p0 $0x1;
	_ =	shalt  }
.Lfunc_end2:
_tile_overlayer_lowered:
.L_overlay_start_2:
0x24: {  	(tag) =	ssettag $0x2  }
0x25: {  	s0 =	rddreg [dreg:$0x0];
	s2 =	stileid.u32  }
0x26: {  	s1 =	rddreg [dreg:$0x1];
	p0 =	sne.s32 s2, $0x0  }
0x27: {  	s3 =	rddreg [dreg:$0x2];
	[bflag:$0x3] =	sbarrier.arrive $0xFFFF;
	s2 =	simm.s32 @!p0 $0x1C02  }
0x28: {  	[timem:s3], [sflag:s2] =	dma.local @!p0 [hbm:s0], s1  }
0x29: {  	s0 =	simm.s32 @!p0 $0x2  }
0x2a: {  	_ =	swait.ge @!p0 [sflag:s0], s1  }
0x2b: {  	s1 =	ssub.s32 @!p0 $0x0, s1;
	[sflag:s0] =	ssyncset.done @!p0 $0x0  }
0x2c: {  	[sflag:s0] =	ssyncadd.s32 @!p0 s1  }
0x2d: {  	[bflag:$0x3] =	sbarrier.arrive $0xFFFF  }
0x2e: {  	_ =	shalt  }

// kernel: kernel.15.cloned.1.call-start
scs
__scs_entry_jumppad:
0x0: {  	(pc) =	sbr.rel $0x88, $3  }
0x1: {  	(tag) =	ssettag $0x0;
	lr =	simm.s32 $0x1  }
0x2: {  	[smem:$0x3F98] =	sst lr;
	_ =	strace $0xD0000000  }
0x3: {  	_ = 	snop  }
0x4: {  	_ = 	snop  }
0x5: {  	_ = 	snop  }
0x6: {  	_ = 	snop  }
0x7: {  	_ = 	snop  }
__scs_overlays_trampoline_lowered:
0x8: {  	[smem:$0x3FA7] =	sst s0  }
0x9: {  	[smem:$0x3FA8] =	sst s1  }
0xa: {  	[smem:$0x3FA9] =	sst s2  }
0xb: {  	[smem:$0x3FAA] =	sst s3  }
0xc: {  	[smem:$0x3FAB] =	sst s4  }
0xd: {  	[smem:$0x3FAC] =	sst s5  }
0xe: {  	[smem:$0x3FAD] =	sst s6  }
0xf: {  	[smem:$0x3FAE] =	sst s7  }
0x10: {  	[smem:$0x3FAF] =	sst s8  }
0x11: {  	[smem:$0x3FB0] =	sst s9;
	s0 =	simm.s32 @!p0 $0x0  }
0x12: {  	s1 =	sld [smem:$0x3F96];
	s0 =	simm.s32 @p0 $0x1  }
0x13: {  	[smem:$0x3FB1] =	sst s0;
	s0 =	simm.s32 @!p1 $0x0  }
0x14: {  	s2 =	sld [smem:$0x3F95];
	s0 =	simm.s32 @p1 $0x1  }
0x15: {  	[smem:$0x3FB2] =	sst s0;
	s0 =	simm.s32 @!p2 $0x0  }
0x16: {  	s3 =	sld [smem:$0x3FDB];
	s0 =	simm.s32 @p2 $0x1  }
0x17: {  	s4 =	simm.s32 $0x1BF5;
	[smem:$0x3FB4] =	sst s0  }
0x18: {  	s0 =	sld [smem:$0x3F97];
	_ =	swait.ge [sflag:s4], $0x0  }
0x19: {  	s7 =	sld [smem:$0x3F98]  }
0x1a: {  	s8 =	sadd.s32 $0xFFFFE003, lr  }
0x1b: {  	s9 =	sadd.s32 $0xFFFFFEF7, lr;
	s5 =	simm.s32 $0xFFFFFFFF;
	p2 =	slt.u32 s8, $0xFFFFF086  }
0x1c: {  	p1 =	slt.u32 s9, $0xF7A;
	s5 =	simm.s32 @!p2 $0x0  }
0x1d: {  	s5 =	simm.s32 @p1 $0x1;
	p0 =	seq.s32 s7, s2  }
0x1e: {  	s7 =	smul.u32 @!p0 $0xF7A, s2;
	p2 =	seq.s32 @!p0 s5, $0x0  }
0x1f: {  	s9 =	smul.u32 $0xF7A, s1;
	s8 =	simm.s32 @!p0 $0x1BF5;
	p2 =	por !p2, p0  }
0x20: {  	[sflag:s8] =	ssyncset.s32 @!p0 $0xFFFFF086;
	s6 =	sadd.s32 @!p0 s3, s7;
	s7 =	simm.s32 @!p0 $0x108  }
0x21: {  	s3 =	sadd.s32 s3, s9;
	s6 =	sadd.s32 @!p0 $0x88, s6;
	s7 =	simm.s32 @p2 $0x1082  }
0x22: {  	[simem:s7], [sflag:s8] =	dma.local @!p0 [hbm:s6], $0xF7A  }
0x23: {  	s9 =	sor.u32 $0xD0000000, s2;
	s6 =	simm.s32 $0x108;
	_ =	swait.ge @!p0 [sflag:s8], $0x0  }
0x24: {  	s3 =	sadd.s32 $0x88, s3;
	s6 =	simm.s32 @!p1 $0x1082;
	[sflag:s4] =	ssyncset.s32 $0xFFFFF086  }
0x25: {  	[simem:s6], [sflag:s4] =	dma.local [hbm:s3], $0xF7A  }
0x26: {  	[smem:$0x3F98] =	sst s1;
	(tag) =	ssettag s2;
	_ =	strace s9  }
0x27: {  	s1 =	sld [smem:$0x3FA8]  }
0x28: {  	s2 =	sld [smem:$0x3FA9]  }
0x29: {  	s4 =	sld [smem:$0x3FAB]  }
0x2a: {  	p0 =	seq.s32 s5, $0x0;
	s5 =	sld [smem:$0x3FAC]  }
0x2b: {  	s6 =	sld [smem:$0x3FAD]  }
0x2c: {  	s7 =	sld [smem:$0x3FAE]  }
0x2d: {  	s3 =	simm.s32 $0x108;
	s8 =	sld [smem:$0x3FAF]  }
0x2e: {  	s3 =	simm.s32 @!p0 $0x1082;
	s9 =	sld [smem:$0x3FB0]  }
0x2f: {  	lr =	sadd.s32 s0, s3;
	s0 =	sld [smem:$0x3FA7]  }
0x30: {  	s3 =	sld [smem:$0x3FAA]  }
0x31: {  	[smem:$0x3FB3] =	sst s10  }
0x32: {  	s10 =	sld [smem:$0x3FB1];
	_ =	sdelay $0x3  }
0x33: {  	p0 =	seq.s32 s10, $0x1;
	s10 =	sld [smem:$0x3FB3];
	_ =	sdelay $0x3  }
0x34: {  	[smem:$0x3FB3] =	sst s10  }
0x35: {  	s10 =	sld [smem:$0x3FB2];
	_ =	sdelay $0x3  }
0x36: {  	p1 =	seq.s32 s10, $0x1;
	s10 =	sld [smem:$0x3FB3];
	_ =	sdelay $0x3  }
0x37: {  	[smem:$0x3FB3] =	sst s10  }
0x38: {  	s10 =	sld [smem:$0x3FB4]  }
0x39: {  	_ = 	snop;
	(pc) =	sbr.ind lr, $3  }
0x3a: {  	_ = 	snop  }
0x3b: {  	_ = 	snop  }
0x3c: {  	p2 =	seq.s32 s10, $0x1;
	s10 =	sld [smem:$0x3FB3]  }
0x3d: {  	_ =	shalt  }
0x3e: {  	_ =	shalt  }
0x3f: {  	_ =	shalt  }
0x40: {  	_ =	shalt  }
0x41: {  	_ =	shalt  }
0x42: {  	_ =	shalt  }
0x43: {  	_ =	shalt  }
0x44: {  	_ =	shalt  }
0x45: {  	_ =	shalt  }
0x46: {  	_ =	shalt  }
0x47: {  	_ =	shalt  }
0x48: {  	_ =	shalt  }
0x49: {  	_ =	shalt  }
0x4a: {  	_ =	shalt  }
0x4b: {  	_ =	shalt  }
0x4c: {  	_ =	shalt  }
0x4d: {  	_ =	shalt  }
0x4e: {  	_ =	shalt  }
0x4f: {  	_ =	shalt  }
0x50: {  	_ =	shalt  }
0x51: {  	_ =	shalt  }
0x52: {  	_ =	shalt  }
0x53: {  	_ =	shalt  }
0x54: {  	_ =	shalt  }
0x55: {  	_ =	shalt  }
0x56: {  	_ =	shalt  }
0x57: {  	_ =	shalt  }
0x58: {  	_ =	shalt  }
0x59: {  	_ =	shalt  }
0x5a: {  	_ =	shalt  }
0x5b: {  	_ =	shalt  }
0x5c: {  	_ =	shalt  }
0x5d: {  	_ =	shalt  }
0x5e: {  	_ =	shalt  }
0x5f: {  	_ =	shalt  }
0x60: {  	_ =	shalt  }
0x61: {  	_ =	shalt  }
0x62: {  	_ =	shalt  }
0x63: {  	_ =	shalt  }
0x64: {  	_ =	shalt  }
0x65: {  	_ =	shalt  }
0x66: {  	_ =	shalt  }
0x67: {  	_ =	shalt  }
0x68: {  	_ =	shalt  }
0x69: {  	_ =	shalt  }
0x6a: {  	_ =	shalt  }
0x6b: {  	_ =	shalt  }
0x6c: {  	_ =	shalt  }
0x6d: {  	_ =	shalt  }
0x6e: {  	_ =	shalt  }
0x6f: {  	_ =	shalt  }
0x70: {  	_ =	shalt  }
0x71: {  	_ =	shalt  }
0x72: {  	_ =	shalt  }
0x73: {  	_ =	shalt  }
0x74: {  	_ =	shalt  }
0x75: {  	_ =	shalt  }
0x76: {  	_ =	shalt  }
0x77: {  	_ =	shalt  }
0x78: {  	_ =	shalt  }
0x79: {  	_ =	shalt  }
0x7a: {  	_ =	shalt  }
0x7b: {  	_ =	shalt  }
0x7c: {  	_ =	shalt  }
0x7d: {  	_ =	shalt  }
0x7e: {  	_ =	shalt  }
0x7f: {  	_ =	shalt  }
0x80: {  	_ =	shalt  }
0x81: {  	_ =	shalt  }
0x82: {  	_ =	shalt  }
0x83: {  	_ =	shalt  }
0x84: {  	_ =	shalt  }
0x85: {  	_ =	shalt  }
0x86: {  	_ =	shalt  }
0x87: {  	_ =	shalt  }
.Lfunc_end0:
.L_simem_size_0:
called_computation.2_lowered:
.L_overlay_start_0:
0x88: {  	s2 =	sld [smem:$0x3FD9]  }
0x89: {  	s3 =	sld [smem:$0x3FFE];
	_ =	sdelay $0x1  }
0x8a: {  	s1 =	srdreg.scid  }
0x8b: {  	s0 =	sand.u32 $0x1, s1  }
0x8c: {  	s17 =	sshll.u32 s0, $0xA;
	s2 =	sadd.s32 s3, s2  }
0x8d: {  	s2 =	sadd.s32 s2, s17  }
0x8e: {  	[smem:$0x3FBF] =	sst s2  }
0x8f: {  	_ = 	snop  }
0x90: {  	s2 =	sld [smem:$0x3FD0];
	(tm) =	ssettm $0x1  }
0x91: {  	s18 =	sld [smem:$0x3FFB];
	_ =	sdelay $0x3  }
0x92: {  	_ =	strace s18  }
0x93: {  	s3 =	sld [smem:$0x3FFC];
	_ =	sdelay $0x3  }
0x94: {  	_ =	strace s3  }
0x95: {  	s3 =	sld [smem:$0x3FFD];
	_ =	sdelay $0x3  }
0x96: {  	_ =	strace s3  }
0x97: {  	_ =	strace $0x8FFFFFFF  }
0x98: {  	s19 =	sld [smem:$0x3FDB];
	_ =	sdelay $0x1  }
0x99: {  	s4 =	simm.s32 $_scs_section_size  }
0x9a: {  	s5 =	simm.s32 $_size__tile_overlayer_lowered;
	s6 =	simm.s32 $_tile_overlayer_lowered  }
0x9b: {  	s22 =	simm.s32 $0x1BFF;
	s21 =	sshll.u32 s6, $0x1;
	s3 =	sadd.s32 s4, s19  }
0x9c: {  	s7 =	simm.s32 $0x0;
	s20 =	sshll.u32 s5, $0x1;
	s5 =	sadd.s32 s21, s3  }
0x9d: {  	[timem:s7], [sflag:s22] =	dma.local [hbm:s5], s20  }
0x9e: {  	_ =	swait.ge [sflag:s22], s20  }
0x9f: {  	s4 =	ssub.s32 $0x0, s20;
	[sflag:s22] =	ssyncset.done $0x0  }
0xa0: {  	[sflag:s22] =	ssyncadd.s32 s4;
	_ =	sdelay $0x1  }
0xa1: {  	s23 =	simm.s32 $0x1B8B  }
0xa2: {  	_ =	swait.ge [sflag:s23], $0x1  }
0xa3: {  	[sflag:s23] =	ssyncset.done $0x0  }
0xa4: {  	s25 =	simm.s32 $0x1B8E;
	s24 =	sld [smem:$0x3FFE];
	[sflag:s23] =	ssyncadd.s32 $0xFFFFFFFF  }
0xa5: {  	s26 =	simm.s32 $execute0_lowered;
	[smem:$0x3FD2] =	sst s25  }
0xa6: {  	s5 =	sshll.u32 s26, $0x1;
	_ =	strace $0x8000004C;
	[dreg:$0x1] =	wrdreg $0xFFFFFFFF  }
0xa7: {  	s28 =	simm.s32 $_size_execute0_lowered;
	s3 =	sadd.s32 s3, s5;
	[dreg:$0x0] =	wrdreg $0x0  }
0xa8: {  	s5 =	sshll.u32 s28, $0x1;
	[dreg:$0x2] =	wrdreg s3  }
0xa9: {  	[dreg:$0x3] =	wrdreg s5  }
0xaa: {  	[dreg:$0x4] =	wrdreg $0xC0  }
0xab: {  	_ =	task [dreg:s7], $0x5FFFF  }
0xac: {  	[dreg:$0x1] =	wrdreg $0xFFFFFFFF  }
0xad: {  	[dreg:$0x0] =	wrdreg $0x60  }
0xae: {  	[dreg:$0x2] =	wrdreg s24  }
0xaf: {  	[dreg:$0x3] =	wrdreg s2  }
0xb0: {  	[dreg:$0x4] =	wrdreg $0x9  }
0xb1: {  	_ =	task.clear_ibuf [dreg:s7], $0x5FFFF;
	_ =	strace $0x9000004C  }
0xb2: {  	s29 =	simm.s32 $0x9;
	_ =	strace $0x8000004E  }
0xb3: {  	_ =	swait.ge [sflag:s29], $0x1  }
0xb4: {  	[sflag:s29] =	ssyncadd.s32 $0xFFFFFFFF  }
0xb5: {  	_ =	strace $0x9000004E  }
0xb6: {  	_ =	sfence  }
0xb7: {  	s30 =	sld [smem:$0x0];
	_ =	sdelay $0x2  }
0xb8: {  	s31 =	sshll.u32 s1, $0xD;
	s1 =	sshrl.u32 s1, $0x2  }
0xb9: {  	s3 =	sand.u32 $0x4000, s31;
	s1 =	sadd.s32 s1, s30  }
0xba: {  	s0 =	sor.u32 s3, s0;
	s1 =	sshll.u32 s1, $0x11  }
0xbb: {  	s0 =	sor.u32 s1, s0  }
0xbc: {  	s0 =	sadd.s32 $0x8F2B, s0  }
0xbd: {  	[sflag:s0] =	ssyncadd.remote.s32 $0x1  }
0xbe: {  	_ =	sfence.sel $0xFFFF  }
0xbf: {  	[dreg:$0x0] =	wrdreg $0xFFFFFFFF;
	(pc) =	sbr.abs _section_cstart, $3  }
0xc0: {  	[dreg:$0x1] =	wrdreg $0xFFFFFFFF  }
0xc1: {  	_ =	task.clear_ibuf [dreg:s7], $0x2FFFF;
	_ =	strace $0x9FFFFFFF  }
0xc2: {  	(tm) =	ssettm $0x7FFFFFFF  }
0xc3: {  	_ =	shalt  }
tec
execute0_lowered:
.L_overlay_start_1:
0x0: {  	(tag) =	ssettag $0x1  }
0x1: {  	s1 =	srdreg.scid  }
0x2: {  	s8 =	rddreg [dreg:$0x0];
	s0 =	stileid.u32  }
0x3: {  	s3 =	rddreg [dreg:$0x1];
	s2 =	simm.s32 $0x0;
	s6 =	sand.u32 $0x1, s1  }
0x4: {  	s4 =	sshll.u32 s0, $0xA;
	s1 =	rddreg [dreg:$0x2];
	s5 =	sshll.u32 s6, $0x9  }
0x5: {  	s7 =	simm.s32 $0x1;
	[smem:$0x7FF] =	sst s2;
	s9 =	sor.u32 s5, s4  }
0x6: {  	_ =	strace $0x8000004D;
	s10 =	ssub.s32 $0x2, s6;
	s4 =	sshrl.u32 s9, $0x3  }
0x7: {  	s6 =	simm.s32 $0x200;
	s4 =	sadd.s32 s3, s4;
	s3 =	simm.s32 $0x2  }
0x8: {  	[tilespmem:s2], [sflag:$0x2] =	stream.linear.gather [hbm4b:s4+s2], $0x200, $0x38;
	[tilespmem:$0x10200] =	vst v63  }
0x9: {  	s5 =	sadd.s32 $0x456600, s8;
	s11 =	sshrl.u32 s10, $0x1;
	_ =	swait.ge [sflag:s3], $0x200  }
0xa: {  	s9 =	sshll.u32 s9, $0x4;
	s31 =	ssub.s32 s10, s11;
	[sflag:s3] =	ssyncset.done $0x0  }
0xb: {  	s8 =	sadd.s32 s9, s8;
	s9 =	smax.u32 s31, $0x1;
	[sflag:s3] =	ssyncadd.s32 $0xFFFFFE00  }
0xc: {  	[tilespmem:s6], [sflag:$0x1] =	stream.indirect.gather [hbm4b:s5+s6], $0x80, s2, s6, $0xb8;
	[tilespmem:$0x10200] =	vst v63  }
0xd: {  	p0 =	sne.s32 s9, $0x1;
	_ =	swait.ge [sflag:s7], $0x10000  }
.Ltmp0:
0xe: {  	[sflag:s7] =	ssyncset.done $0x0;
	(pc) =	sbr.rel @!p0 .LBB2_2-.Ltmp0, $4  }
0xf: {  	s8 =	sadd.s32 $0xA00, s8;
	[sflag:s7] =	ssyncadd.s32 $0xFFFF0000  }
0x10: {  	[hbm4b:s8+s2] =	stream.linear.scatter [tilespmem:s6], [sflag:$0x2], $0x10000, $0x38;
	[tilespmem:$0x10200] =	vst v63  }
0x11: {  	_ =	swait.ge [sflag:s3], $0x10000  }
0x12: {  	s9 =	sadd.s32 $0xFFFFFFFF, s9;
	[sflag:s3] =	ssyncset.done $0x0  }
.LBB2_1:
0x13: {  	p0 =	sne.s32 s9, $0x1;
	s9 =	sadd.s32 $0xFFFFFFFF, s9;
	[sflag:s3] =	ssyncadd.s32 $0xFFFF0000  }
0x14: {  	[tilespmem:s2], [sflag:$0x2] =	stream.linear.gather [hbm4b:s4+s2], $0x200, $0x38;
	[tilespmem:$0x10200] =	vst v63  }
0x15: {  	_ =	swait.ge [sflag:s3], $0x200  }
0x16: {  	[sflag:s3] =	ssyncset.done $0x0  }
0x17: {  	[sflag:s3] =	ssyncadd.s32 $0xFFFFFE00  }
0x18: {  	[tilespmem:s6], [sflag:$0x1] =	stream.indirect.gather [hbm4b:s5+s6], $0x80, s2, s6, $0xb8;
	[tilespmem:$0x10200] =	vst v63  }
0x19: {  	_ =	swait.ge [sflag:s7], $0x10000  }
.Ltmp1:
0x1a: {  	[sflag:s7] =	ssyncset.done $0x0;
	(pc) =	sbr.rel @p0 .LBB2_1-.Ltmp1, $4  }
0x1b: {  	[sflag:s7] =	ssyncadd.s32 $0xFFFF0000  }
0x1c: {  	[hbm4b:s8+s2] =	stream.linear.scatter [tilespmem:s6], [sflag:$0x2], $0x10000, $0x38;
	[tilespmem:$0x10200] =	vst v63  }
0x1d: {  	_ =	swait.ge [sflag:s3], $0x10000  }
0x1e: {  	[sflag:s3] =	ssyncset.done $0x0  }
.LBB2_2:
0x1f: {  	[sflag:s3] =	ssyncadd.s32 $0xFFFF0000  }
0x20: {  	_ =	sfence.sel $0x180000  }
0x21: {  	[bflag:$0x0] =	sbarrier.arrive $0xFFFF  }
0x22: {  	p0 =	sne.s32 s0, $0x0;
	_ =	strace $0x9000004D  }
0x23: {  	s0 =	sadd.s32 @!p0 $0x100000, s1;
	[bflag:$0x2] =	sbarrier.arrive $0xFFFF  }
0x24: {  	[sflag:s0] =	ssyncadd.tile.s32 @!p0 $0x1;
	_ =	shalt  }
.Lfunc_end2:
_tile_overlayer_lowered:
.L_overlay_start_2:
0x25: {  	(tag) =	ssettag $0x2  }
0x26: {  	s0 =	rddreg [dreg:$0x0];
	s2 =	stileid.u32  }
0x27: {  	s1 =	rddreg [dreg:$0x1];
	p0 =	sne.s32 s2, $0x0  }
0x28: {  	s3 =	rddreg [dreg:$0x2];
	[bflag:$0x3] =	sbarrier.arrive $0xFFFF;
	s2 =	simm.s32 @!p0 $0x1C02  }
0x29: {  	[timem:s3], [sflag:s2] =	dma.local @!p0 [hbm:s0], s1  }
0x2a: {  	s0 =	simm.s32 @!p0 $0x2  }
0x2b: {  	_ =	swait.ge @!p0 [sflag:s0], s1  }
0x2c: {  	s1 =	ssub.s32 @!p0 $0x0, s1;
	[sflag:s0] =	ssyncset.done @!p0 $0x0  }
0x2d: {  	[sflag:s0] =	ssyncadd.s32 @!p0 s1  }
0x2e: {  	[bflag:$0x3] =	sbarrier.arrive $0xFFFF  }
0x2f: {  	_ =	shalt  }

// kernel: kernel.9.cloned.1.call-start
scs
__scs_entry_jumppad:
0x0: {  	(pc) =	sbr.rel $0x88, $3  }
0x1: {  	(tag) =	ssettag $0x0;
	lr =	simm.s32 $0x1  }
0x2: {  	[smem:$0x3F98] =	sst lr;
	_ =	strace $0xD0000000  }
0x3: {  	_ = 	snop  }
0x4: {  	_ = 	snop  }
0x5: {  	_ = 	snop  }
0x6: {  	_ = 	snop  }
0x7: {  	_ = 	snop  }
__scs_overlays_trampoline_lowered:
0x8: {  	[smem:$0x3FA7] =	sst s0  }
0x9: {  	[smem:$0x3FA8] =	sst s1  }
0xa: {  	[smem:$0x3FA9] =	sst s2  }
0xb: {  	[smem:$0x3FAA] =	sst s3  }
0xc: {  	[smem:$0x3FAB] =	sst s4  }
0xd: {  	[smem:$0x3FAC] =	sst s5  }
0xe: {  	[smem:$0x3FAD] =	sst s6  }
0xf: {  	[smem:$0x3FAE] =	sst s7  }
0x10: {  	[smem:$0x3FAF] =	sst s8  }
0x11: {  	[smem:$0x3FB0] =	sst s9;
	s0 =	simm.s32 @!p0 $0x0  }
0x12: {  	s1 =	sld [smem:$0x3F96];
	s0 =	simm.s32 @p0 $0x1  }
0x13: {  	[smem:$0x3FB1] =	sst s0;
	s0 =	simm.s32 @!p1 $0x0  }
0x14: {  	s2 =	sld [smem:$0x3F95];
	s0 =	simm.s32 @p1 $0x1  }
0x15: {  	[smem:$0x3FB2] =	sst s0;
	s0 =	simm.s32 @!p2 $0x0  }
0x16: {  	s3 =	sld [smem:$0x3FDB];
	s0 =	simm.s32 @p2 $0x1  }
0x17: {  	s4 =	simm.s32 $0x1BF5;
	[smem:$0x3FB4] =	sst s0  }
0x18: {  	s0 =	sld [smem:$0x3F97];
	_ =	swait.ge [sflag:s4], $0x0  }
0x19: {  	s7 =	sld [smem:$0x3F98]  }
0x1a: {  	s8 =	sadd.s32 $0xFFFFE003, lr  }
0x1b: {  	s9 =	sadd.s32 $0xFFFFFEF7, lr;
	s5 =	simm.s32 $0xFFFFFFFF;
	p2 =	slt.u32 s8, $0xFFFFF086  }
0x1c: {  	p1 =	slt.u32 s9, $0xF7A;
	s5 =	simm.s32 @!p2 $0x0  }
0x1d: {  	s5 =	simm.s32 @p1 $0x1;
	p0 =	seq.s32 s7, s2  }
0x1e: {  	s7 =	smul.u32 @!p0 $0xF7A, s2;
	p2 =	seq.s32 @!p0 s5, $0x0  }
0x1f: {  	s9 =	smul.u32 $0xF7A, s1;
	s8 =	simm.s32 @!p0 $0x1BF5;
	p2 =	por !p2, p0  }
0x20: {  	[sflag:s8] =	ssyncset.s32 @!p0 $0xFFFFF086;
	s6 =	sadd.s32 @!p0 s3, s7;
	s7 =	simm.s32 @!p0 $0x108  }
0x21: {  	s3 =	sadd.s32 s3, s9;
	s6 =	sadd.s32 @!p0 $0x88, s6;
	s7 =	simm.s32 @p2 $0x1082  }
0x22: {  	[simem:s7], [sflag:s8] =	dma.local @!p0 [hbm:s6], $0xF7A  }
0x23: {  	s9 =	sor.u32 $0xD0000000, s2;
	s6 =	simm.s32 $0x108;
	_ =	swait.ge @!p0 [sflag:s8], $0x0  }
0x24: {  	s3 =	sadd.s32 $0x88, s3;
	s6 =	simm.s32 @!p1 $0x1082;
	[sflag:s4] =	ssyncset.s32 $0xFFFFF086  }
0x25: {  	[simem:s6], [sflag:s4] =	dma.local [hbm:s3], $0xF7A  }
0x26: {  	[smem:$0x3F98] =	sst s1;
	(tag) =	ssettag s2;
	_ =	strace s9  }
0x27: {  	s1 =	sld [smem:$0x3FA8]  }
0x28: {  	s2 =	sld [smem:$0x3FA9]  }
0x29: {  	s4 =	sld [smem:$0x3FAB]  }
0x2a: {  	p0 =	seq.s32 s5, $0x0;
	s5 =	sld [smem:$0x3FAC]  }
0x2b: {  	s6 =	sld [smem:$0x3FAD]  }
0x2c: {  	s7 =	sld [smem:$0x3FAE]  }
0x2d: {  	s3 =	simm.s32 $0x108;
	s8 =	sld [smem:$0x3FAF]  }
0x2e: {  	s3 =	simm.s32 @!p0 $0x1082;
	s9 =	sld [smem:$0x3FB0]  }
0x2f: {  	lr =	sadd.s32 s0, s3;
	s0 =	sld [smem:$0x3FA7]  }
0x30: {  	s3 =	sld [smem:$0x3FAA]  }
0x31: {  	[smem:$0x3FB3] =	sst s10  }
0x32: {  	s10 =	sld [smem:$0x3FB1];
	_ =	sdelay $0x3  }
0x33: {  	p0 =	seq.s32 s10, $0x1;
	s10 =	sld [smem:$0x3FB3];
	_ =	sdelay $0x3  }
0x34: {  	[smem:$0x3FB3] =	sst s10  }
0x35: {  	s10 =	sld [smem:$0x3FB2];
	_ =	sdelay $0x3  }
0x36: {  	p1 =	seq.s32 s10, $0x1;
	s10 =	sld [smem:$0x3FB3];
	_ =	sdelay $0x3  }
0x37: {  	[smem:$0x3FB3] =	sst s10  }
0x38: {  	s10 =	sld [smem:$0x3FB4]  }
0x39: {  	_ = 	snop;
	(pc) =	sbr.ind lr, $3  }
0x3a: {  	_ = 	snop  }
0x3b: {  	_ = 	snop  }
0x3c: {  	p2 =	seq.s32 s10, $0x1;
	s10 =	sld [smem:$0x3FB3]  }
0x3d: {  	_ =	shalt  }
0x3e: {  	_ =	shalt  }
0x3f: {  	_ =	shalt  }
0x40: {  	_ =	shalt  }
0x41: {  	_ =	shalt  }
0x42: {  	_ =	shalt  }
0x43: {  	_ =	shalt  }
0x44: {  	_ =	shalt  }
0x45: {  	_ =	shalt  }
0x46: {  	_ =	shalt  }
0x47: {  	_ =	shalt  }
0x48: {  	_ =	shalt  }
0x49: {  	_ =	shalt  }
0x4a: {  	_ =	shalt  }
0x4b: {  	_ =	shalt  }
0x4c: {  	_ =	shalt  }
0x4d: {  	_ =	shalt  }
0x4e: {  	_ =	shalt  }
0x4f: {  	_ =	shalt  }
0x50: {  	_ =	shalt  }
0x51: {  	_ =	shalt  }
0x52: {  	_ =	shalt  }
0x53: {  	_ =	shalt  }
0x54: {  	_ =	shalt  }
0x55: {  	_ =	shalt  }
0x56: {  	_ =	shalt  }
0x57: {  	_ =	shalt  }
0x58: {  	_ =	shalt  }
0x59: {  	_ =	shalt  }
0x5a: {  	_ =	shalt  }
0x5b: {  	_ =	shalt  }
0x5c: {  	_ =	shalt  }
0x5d: {  	_ =	shalt  }
0x5e: {  	_ =	shalt  }
0x5f: {  	_ =	shalt  }
0x60: {  	_ =	shalt  }
0x61: {  	_ =	shalt  }
0x62: {  	_ =	shalt  }
0x63: {  	_ =	shalt  }
0x64: {  	_ =	shalt  }
0x65: {  	_ =	shalt  }
0x66: {  	_ =	shalt  }
0x67: {  	_ =	shalt  }
0x68: {  	_ =	shalt  }
0x69: {  	_ =	shalt  }
0x6a: {  	_ =	shalt  }
0x6b: {  	_ =	shalt  }
0x6c: {  	_ =	shalt  }
0x6d: {  	_ =	shalt  }
0x6e: {  	_ =	shalt  }
0x6f: {  	_ =	shalt  }
0x70: {  	_ =	shalt  }
0x71: {  	_ =	shalt  }
0x72: {  	_ =	shalt  }
0x73: {  	_ =	shalt  }
0x74: {  	_ =	shalt  }
0x75: {  	_ =	shalt  }
0x76: {  	_ =	shalt  }
0x77: {  	_ =	shalt  }
0x78: {  	_ =	shalt  }
0x79: {  	_ =	shalt  }
0x7a: {  	_ =	shalt  }
0x7b: {  	_ =	shalt  }
0x7c: {  	_ =	shalt  }
0x7d: {  	_ =	shalt  }
0x7e: {  	_ =	shalt  }
0x7f: {  	_ =	shalt  }
0x80: {  	_ =	shalt  }
0x81: {  	_ =	shalt  }
0x82: {  	_ =	shalt  }
0x83: {  	_ =	shalt  }
0x84: {  	_ =	shalt  }
0x85: {  	_ =	shalt  }
0x86: {  	_ =	shalt  }
0x87: {  	_ =	shalt  }
.Lfunc_end0:
.L_simem_size_0:
called_computation_lowered:
.L_overlay_start_0:
0x88: {  	s2 =	sld [smem:$0x3FD9]  }
0x89: {  	s3 =	sld [smem:$0x3FFE];
	_ =	sdelay $0x1  }
0x8a: {  	s1 =	srdreg.scid  }
0x8b: {  	s0 =	sand.u32 $0x1, s1  }
0x8c: {  	s17 =	sshll.u32 s0, $0xA;
	s2 =	sadd.s32 s3, s2  }
0x8d: {  	s2 =	sadd.s32 s2, s17  }
0x8e: {  	[smem:$0x3FBF] =	sst s2  }
0x8f: {  	_ = 	snop  }
0x90: {  	s18 =	sld [smem:$0x3FD0];
	(tm) =	ssettm $0x1  }
0x91: {  	s19 =	sld [smem:$0x3FFB];
	_ =	sdelay $0x3  }
0x92: {  	_ =	strace s19  }
0x93: {  	s2 =	sld [smem:$0x3FFC];
	_ =	sdelay $0x3  }
0x94: {  	_ =	strace s2  }
0x95: {  	s2 =	sld [smem:$0x3FFD];
	_ =	sdelay $0x3  }
0x96: {  	_ =	strace s2  }
0x97: {  	_ =	strace $0x8FFFFFFF  }
0x98: {  	s20 =	sld [smem:$0x3FDB];
	_ =	sdelay $0x1  }
0x99: {  	s4 =	simm.s32 $_scs_section_size  }
0x9a: {  	s5 =	simm.s32 $_size__tile_overlayer_lowered;
	s6 =	simm.s32 $_tile_overlayer_lowered  }
0x9b: {  	s7 =	simm.s32 $0x1BFF;
	s21 =	sshll.u32 s6, $0x1;
	s4 =	sadd.s32 s4, s20  }
0x9c: {  	s22 =	simm.s32 $0x0;
	s5 =	sshll.u32 s5, $0x1;
	s6 =	sadd.s32 s21, s4  }
0x9d: {  	[timem:s22], [sflag:s7] =	dma.local [hbm:s6], s5  }
0x9e: {  	_ =	swait.ge [sflag:s7], s5  }
0x9f: {  	s5 =	ssub.s32 $0x0, s5;
	[sflag:s7] =	ssyncset.done $0x0  }
0xa0: {  	[sflag:s7] =	ssyncadd.s32 s5;
	_ =	sdelay $0x1  }
0xa1: {  	s23 =	simm.s32 $0x1B8B  }
0xa2: {  	_ =	swait.ge [sflag:s23], $0x1  }
0xa3: {  	[sflag:s23] =	ssyncset.done $0x0  }
0xa4: {  	[sflag:s23] =	ssyncadd.s32 $0xFFFFFFFF  }
0xa5: {  	s5 =	sld [smem:$0x0]  }
0xa6: {  	s6 =	sand.u32 $0xFFFFFFFE, s1  }
0xa7: {  	p0 =	sne.s32 s1, s6  }
0xa8: {  	s6 =	sshll.u32 @p0 s6, $0xE  }
0xa9: {  	s6 =	sadd.s32 @p0 $0x11B8D, s6;
	s7 =	sshll.u32 @p0 s5, $0x11  }
0xaa: {  	s6 =	sor.u32 @p0 s7, s6  }
0xab: {  	[sflag:s6] =	ssyncadd.remote.s32 @p0 $0x1;
	_ =	sdelay $0x1  }
0xac: {  	s6 =	simm.s32 @p0 $0x1B8D  }
0xad: {  	_ =	swait.eq @p0 [sflag:s6], $0x1  }
0xae: {  	[sflag:s6] =	ssyncadd.s32 @p0 $0xFFFFFFFF  }
0xaf: {  	s7 =	sshll.u32 @!p0 s1, $0xE  }
0xb0: {  	s7 =	sor.u32 @!p0 $0x4000, s7;
	s6 =	simm.s32 @!p0 $0x1B8D  }
0xb1: {  	s5 =	sshll.u32 @!p0 s5, $0x11;
	s7 =	sadd.s32 @!p0 $0x11B8D, s7;
	_ =	swait.eq @!p0 [sflag:s6], $0x1  }
0xb2: {  	s5 =	sor.u32 @!p0 s5, s7;
	[sflag:s6] =	ssyncadd.s32 @!p0 $0xFFFFFFFF  }
0xb3: {  	s25 =	simm.s32 $0x1B8E;
	s24 =	sld [smem:$0x3FFE];
	[sflag:s5] =	ssyncadd.remote.s32 @!p0 $0x1  }
0xb4: {  	s26 =	simm.s32 $execute0_lowered;
	[smem:$0x3FD2] =	sst s25  }
0xb5: {  	s6 =	sshll.u32 s26, $0x1;
	_ =	strace $0x80000049;
	[dreg:$0x1] =	wrdreg $0xFFFFFFFF  }
0xb6: {  	s28 =	simm.s32 $_size_execute0_lowered;
	s4 =	sadd.s32 s4, s6;
	[dreg:$0x0] =	wrdreg $0x0  }
0xb7: {  	s6 =	sshll.u32 s28, $0x1;
	[dreg:$0x2] =	wrdreg s4  }
0xb8: {  	[dreg:$0x3] =	wrdreg s6  }
0xb9: {  	[dreg:$0x4] =	wrdreg $0xC0  }
0xba: {  	_ =	task [dreg:s22], $0x5FFFF  }
0xbb: {  	[dreg:$0x1] =	wrdreg $0xFFFFFFFF  }
0xbc: {  	[dreg:$0x0] =	wrdreg $0x60  }
0xbd: {  	[dreg:$0x2] =	wrdreg s24  }
0xbe: {  	[dreg:$0x3] =	wrdreg s18  }
0xbf: {  	[dreg:$0x4] =	wrdreg $0x9  }
0xc0: {  	_ =	task.clear_ibuf [dreg:s22], $0x5FFFF;
	_ =	strace $0x90000049  }
0xc1: {  	s29 =	simm.s32 $0x9;
	_ =	strace $0x8000004B  }
0xc2: {  	_ =	swait.ge [sflag:s29], $0x1  }
0xc3: {  	[sflag:s29] =	ssyncadd.s32 $0xFFFFFFFF  }
0xc4: {  	_ =	strace $0x9000004B  }
0xc5: {  	_ =	sfence  }
0xc6: {  	s30 =	sld [smem:$0x0];
	_ =	sdelay $0x2  }
0xc7: {  	s31 =	sshll.u32 s1, $0xD;
	s1 =	sshrl.u32 s1, $0x2  }
0xc8: {  	s4 =	sand.u32 $0x4000, s31;
	s1 =	sadd.s32 s1, s30  }
0xc9: {  	s0 =	sor.u32 s4, s0;
	s1 =	sshll.u32 s1, $0x11  }
0xca: {  	s0 =	sor.u32 s1, s0  }
0xcb: {  	s0 =	sadd.s32 $0x8F2B, s0  }
0xcc: {  	[sflag:s0] =	ssyncadd.remote.s32 $0x1  }
0xcd: {  	_ =	sfence.sel $0xFFFF  }
0xce: {  	[dreg:$0x0] =	wrdreg $0xFFFFFFFF;
	(pc) =	sbr.abs _section_cstart, $3  }
0xcf: {  	[dreg:$0x1] =	wrdreg $0xFFFFFFFF  }
0xd0: {  	_ =	task.clear_ibuf [dreg:s22], $0x2FFFF;
	_ =	strace $0x9FFFFFFF  }
0xd1: {  	(tm) =	ssettm $0x7FFFFFFF  }
tec
execute0_lowered:
.L_overlay_start_1:
0x0: {  	(tag) =	ssettag $0x1  }
0x1: {  	s1 =	srdreg.scid  }
0x2: {  	s8 =	rddreg [dreg:$0x0];
	s0 =	stileid.u32;
	s22 =	sand.u32 $0x1, s1  }
0x3: {  	s21 =	rddreg [dreg:$0x1];
	s3 =	sshll.u32 s0, $0xD;
	s4 =	sshll.u32 s22, $0xC  }
0x4: {  	s2 =	simm.s32 $0x0;
	s1 =	rddreg [dreg:$0x2];
	s24 =	sor.u32 s4, s3  }
0x5: {  	[smem:$0x7FF] =	sst s2;
	s3 =	sshrl.u32 s24, $0x3  }
0x6: {  	_ =	strace $0x8000004A;
	s4 =	sadd.s32 s21, s3;
	s3 =	simm.s32 $0x2  }
0x7: {  	[tilespmem:s2], [sflag:$0x2] =	stream.linear.gather [hbm4b:s4+s2], $0x200, $0x38;
	[tilespmem:$0x10200] =	vst v63  }
0x8: {  	_ =	swait.ge [sflag:s3], $0x200  }
0x9: {  	s6 =	simm.s32 $0x200;
	[sflag:s3] =	ssyncset.done $0x0  }
0xa: {  	s7 =	simm.s32 $0x1;
	s5 =	sadd.s32 $0x18E600, s8;
	[sflag:s3] =	ssyncadd.s32 $0xFFFFFE00  }
0xb: {  	[tilespmem:s6], [sflag:$0x1] =	stream.indirect.gather [hbm4b:s5+s6], $0x80, s2, s6, $0xb8;
	[tilespmem:$0x10200] =	vst v63  }
0xc: {  	_ =	swait.ge [sflag:s7], $0x10000  }
0xd: {  	s23 =	sadd.s32 $0x256600, s8;
	s28 =	sshll.u32 s24, $0x4;
	[sflag:s7] =	ssyncset.done $0x0  }
0xe: {  	s8 =	sadd.s32 s23, s28;
	[sflag:s7] =	ssyncadd.s32 $0xFFFF0000  }
0xf: {  	[hbm4b:s8+s2] =	stream.linear.scatter [tilespmem:s6], [sflag:$0x2], $0x10000, $0x38;
	[tilespmem:$0x10200] =	vst v63  }
0x10: {  	s10 =	sor.u32 $0x200, s24;
	_ =	swait.ge [sflag:s3], $0x10000  }
0x11: {  	s9 =	sshrl.u32 s10, $0x3;
	[sflag:s3] =	ssyncset.done $0x0  }
0x12: {  	s9 =	sadd.s32 s21, s9;
	[sflag:s3] =	ssyncadd.s32 $0xFFFF0000  }
0x13: {  	[tilespmem:s2], [sflag:$0x2] =	stream.linear.gather [hbm4b:s9+s2], $0x200, $0x38;
	[tilespmem:$0x10200] =	vst v63  }
0x14: {  	_ =	swait.ge [sflag:s3], $0x200  }
0x15: {  	[sflag:s3] =	ssyncset.done $0x0  }
0x16: {  	[sflag:s3] =	ssyncadd.s32 $0xFFFFFE00  }
0x17: {  	[tilespmem:s6], [sflag:$0x1] =	stream.indirect.gather [hbm4b:s5+s6], $0x80, s2, s6, $0xb8;
	[tilespmem:$0x10200] =	vst v63  }
0x18: {  	_ =	swait.ge [sflag:s7], $0x10000  }
0x19: {  	s10 =	sshll.u32 s10, $0x4;
	[sflag:s7] =	ssyncset.done $0x0  }
0x1a: {  	s10 =	sadd.s32 s23, s10;
	[sflag:s7] =	ssyncadd.s32 $0xFFFF0000  }
0x1b: {  	[hbm4b:s10+s2] =	stream.linear.scatter [tilespmem:s6], [sflag:$0x2], $0x10000, $0x38;
	[tilespmem:$0x10200] =	vst v63  }
0x1c: {  	s12 =	sor.u32 $0x400, s24;
	_ =	swait.ge [sflag:s3], $0x10000  }
0x1d: {  	s11 =	sshrl.u32 s12, $0x3;
	[sflag:s3] =	ssyncset.done $0x0  }
0x1e: {  	s11 =	sadd.s32 s21, s11;
	[sflag:s3] =	ssyncadd.s32 $0xFFFF0000  }
0x1f: {  	[tilespmem:s2], [sflag:$0x2] =	stream.linear.gather [hbm4b:s11+s2], $0x200, $0x38;
	[tilespmem:$0x10200] =	vst v63  }
0x20: {  	_ =	swait.ge [sflag:s3], $0x200  }
0x21: {  	[sflag:s3] =	ssyncset.done $0x0  }
0x22: {  	[sflag:s3] =	ssyncadd.s32 $0xFFFFFE00  }
0x23: {  	[tilespmem:s6], [sflag:$0x1] =	stream.indirect.gather [hbm4b:s5+s6], $0x80, s2, s6, $0xb8;
	[tilespmem:$0x10200] =	vst v63  }
0x24: {  	_ =	swait.ge [sflag:s7], $0x10000  }
0x25: {  	s12 =	sshll.u32 s12, $0x4;
	[sflag:s7] =	ssyncset.done $0x0  }
0x26: {  	s12 =	sadd.s32 s23, s12;
	[sflag:s7] =	ssyncadd.s32 $0xFFFF0000  }
0x27: {  	[hbm4b:s12+s2] =	stream.linear.scatter [tilespmem:s6], [sflag:$0x2], $0x10000, $0x38;
	[tilespmem:$0x10200] =	vst v63  }
0x28: {  	s14 =	sor.u32 $0x600, s24;
	_ =	swait.ge [sflag:s3], $0x10000  }
0x29: {  	s13 =	sshrl.u32 s14, $0x3;
	[sflag:s3] =	ssyncset.done $0x0  }
0x2a: {  	s13 =	sadd.s32 s21, s13;
	[sflag:s3] =	ssyncadd.s32 $0xFFFF0000  }
0x2b: {  	[tilespmem:s2], [sflag:$0x2] =	stream.linear.gather [hbm4b:s13+s2], $0x200, $0x38;
	[tilespmem:$0x10200] =	vst v63  }
0x2c: {  	_ =	swait.ge [sflag:s3], $0x200  }
0x2d: {  	[sflag:s3] =	ssyncset.done $0x0  }
0x2e: {  	[sflag:s3] =	ssyncadd.s32 $0xFFFFFE00  }
0x2f: {  	[tilespmem:s6], [sflag:$0x1] =	stream.indirect.gather [hbm4b:s5+s6], $0x80, s2, s6, $0xb8;
	[tilespmem:$0x10200] =	vst v63  }
0x30: {  	_ =	swait.ge [sflag:s7], $0x10000  }
0x31: {  	s14 =	sshll.u32 s14, $0x4;
	[sflag:s7] =	ssyncset.done $0x0  }
0x32: {  	s14 =	sadd.s32 s23, s14;
	[sflag:s7] =	ssyncadd.s32 $0xFFFF0000  }
0x33: {  	[hbm4b:s14+s2] =	stream.linear.scatter [tilespmem:s6], [sflag:$0x2], $0x10000, $0x38;
	[tilespmem:$0x10200] =	vst v63  }
0x34: {  	s16 =	sor.u32 $0x800, s24;
	_ =	swait.ge [sflag:s3], $0x10000  }
0x35: {  	s15 =	sshrl.u32 s16, $0x3;
	[sflag:s3] =	ssyncset.done $0x0  }
0x36: {  	s15 =	sadd.s32 s21, s15;
	[sflag:s3] =	ssyncadd.s32 $0xFFFF0000  }
0x37: {  	[tilespmem:s2], [sflag:$0x2] =	stream.linear.gather [hbm4b:s15+s2], $0x200, $0x38;
	[tilespmem:$0x10200] =	vst v63  }
0x38: {  	_ =	swait.ge [sflag:s3], $0x200  }
0x39: {  	[sflag:s3] =	ssyncset.done $0x0  }
0x3a: {  	[sflag:s3] =	ssyncadd.s32 $0xFFFFFE00  }
0x3b: {  	[tilespmem:s6], [sflag:$0x1] =	stream.indirect.gather [hbm4b:s5+s6], $0x80, s2, s6, $0xb8;
	[tilespmem:$0x10200] =	vst v63  }
0x3c: {  	_ =	swait.ge [sflag:s7], $0x10000  }
0x3d: {  	s16 =	sshll.u32 s16, $0x4;
	[sflag:s7] =	ssyncset.done $0x0  }
0x3e: {  	s16 =	sadd.s32 s23, s16;
	[sflag:s7] =	ssyncadd.s32 $0xFFFF0000  }
0x3f: {  	[hbm4b:s16+s2] =	stream.linear.scatter [tilespmem:s6], [sflag:$0x2], $0x10000, $0x38;
	[tilespmem:$0x10200] =	vst v63  }
0x40: {  	s18 =	sor.u32 $0xA00, s24;
	_ =	swait.ge [sflag:s3], $0x10000  }
0x41: {  	s17 =	sshrl.u32 s18, $0x3;
	[sflag:s3] =	ssyncset.done $0x0  }
0x42: {  	s17 =	sadd.s32 s21, s17;
	[sflag:s3] =	ssyncadd.s32 $0xFFFF0000  }
0x43: {  	[tilespmem:s2], [sflag:$0x2] =	stream.linear.gather [hbm4b:s17+s2], $0x200, $0x38;
	[tilespmem:$0x10200] =	vst v63  }
0x44: {  	_ =	swait.ge [sflag:s3], $0x200  }
0x45: {  	[sflag:s3] =	ssyncset.done $0x0  }
0x46: {  	[sflag:s3] =	ssyncadd.s32 $0xFFFFFE00  }
0x47: {  	[tilespmem:s6], [sflag:$0x1] =	stream.indirect.gather [hbm4b:s5+s6], $0x80, s2, s6, $0xb8;
	[tilespmem:$0x10200] =	vst v63  }
0x48: {  	_ =	swait.ge [sflag:s7], $0x10000  }
0x49: {  	s18 =	sshll.u32 s18, $0x4;
	[sflag:s7] =	ssyncset.done $0x0  }
0x4a: {  	s18 =	sadd.s32 s23, s18;
	[sflag:s7] =	ssyncadd.s32 $0xFFFF0000  }
0x4b: {  	[hbm4b:s18+s2] =	stream.linear.scatter [tilespmem:s6], [sflag:$0x2], $0x10000, $0x38;
	[tilespmem:$0x10200] =	vst v63  }
0x4c: {  	s20 =	sor.u32 $0xC00, s24;
	_ =	swait.ge [sflag:s3], $0x10000  }
0x4d: {  	s19 =	sshrl.u32 s20, $0x3;
	[sflag:s3] =	ssyncset.done $0x0  }
0x4e: {  	s19 =	sadd.s32 s21, s19;
	[sflag:s3] =	ssyncadd.s32 $0xFFFF0000  }
0x4f: {  	[tilespmem:s2], [sflag:$0x2] =	stream.linear.gather [hbm4b:s19+s2], $0x200, $0x38;
	[tilespmem:$0x10200] =	vst v63  }
0x50: {  	_ =	swait.ge [sflag:s3], $0x200  }
0x51: {  	[sflag:s3] =	ssyncset.done $0x0  }
0x52: {  	[sflag:s3] =	ssyncadd.s32 $0xFFFFFE00  }
0x53: {  	[tilespmem:s6], [sflag:$0x1] =	stream.indirect.gather [hbm4b:s5+s6], $0x80, s2, s6, $0xb8;
	[tilespmem:$0x10200] =	vst v63  }
0x54: {  	_ =	swait.ge [sflag:s7], $0x10000  }
0x55: {  	s20 =	sshll.u32 s20, $0x4;
	[sflag:s7] =	ssyncset.done $0x0  }
0x56: {  	s20 =	sadd.s32 s23, s20;
	[sflag:s7] =	ssyncadd.s32 $0xFFFF0000  }
0x57: {  	[hbm4b:s20+s2] =	stream.linear.scatter [tilespmem:s6], [sflag:$0x2], $0x10000, $0x38;
	[tilespmem:$0x10200] =	vst v63  }
0x58: {  	s24 =	sor.u32 $0xE00, s24;
	_ =	swait.ge [sflag:s3], $0x10000  }
0x59: {  	s25 =	sshrl.u32 s24, $0x3;
	[sflag:s3] =	ssyncset.done $0x0  }
0x5a: {  	s22 =	ssub.s32 $0x2, s22;
	s21 =	sadd.s32 s21, s25;
	[sflag:s3] =	ssyncadd.s32 $0xFFFF0000  }
0x5b: {  	[tilespmem:s2], [sflag:$0x2] =	stream.linear.gather [hbm4b:s21+s2], $0x200, $0x38;
	[tilespmem:$0x10200] =	vst v63  }
0x5c: {  	s29 =	sshrl.u32 s22, $0x1;
	_ =	swait.ge [sflag:s3], $0x200  }
0x5d: {  	s25 =	ssub.s32 s22, s29;
	[sflag:s3] =	ssyncset.done $0x0  }
0x5e: {  	s31 =	smax.u32 s25, $0x1;
	[sflag:s3] =	ssyncadd.s32 $0xFFFFFE00  }
0x5f: {  	[tilespmem:s6], [sflag:$0x1] =	stream.indirect.gather [hbm4b:s5+s6], $0x80, s2, s6, $0xb8;
	[tilespmem:$0x10200] =	vst v63  }
0x60: {  	p0 =	sne.s32 s31, $0x1;
	_ =	swait.ge [sflag:s7], $0x10000  }
.Ltmp0:
0x61: {  	s30 =	sshll.u32 s24, $0x4;
	[sflag:s7] =	ssyncset.done $0x0;
	(pc) =	sbr.rel @!p0 .LBB2_2-.Ltmp0, $4  }
0x62: {  	s22 =	sadd.s32 s23, s30;
	[sflag:s7] =	ssyncadd.s32 $0xFFFF0000  }
0x63: {  	[hbm4b:s22+s2] =	stream.linear.scatter [tilespmem:s6], [sflag:$0x2], $0x10000, $0x38;
	[tilespmem:$0x10200] =	vst v63  }
0x64: {  	_ =	swait.ge [sflag:s3], $0x10000  }
0x65: {  	s23 =	sadd.s32 $0xFFFFFFFF, s31;
	[sflag:s3] =	ssyncset.done $0x0  }
.LBB2_1:
0x66: {  	p0 =	sne.s32 s23, $0x1;
	s23 =	sadd.s32 $0xFFFFFFFF, s23;
	[sflag:s3] =	ssyncadd.s32 $0xFFFF0000  }
0x67: {  	[tilespmem:s2], [sflag:$0x2] =	stream.linear.gather [hbm4b:s4+s2], $0x200, $0x38;
	[tilespmem:$0x10200] =	vst v63  }
0x68: {  	_ =	swait.ge [sflag:s3], $0x200  }
0x69: {  	[sflag:s3] =	ssyncset.done $0x0  }
0x6a: {  	[sflag:s3] =	ssyncadd.s32 $0xFFFFFE00  }
0x6b: {  	[tilespmem:s6], [sflag:$0x1] =	stream.indirect.gather [hbm4b:s5+s6], $0x80, s2, s6, $0xb8;
	[tilespmem:$0x10200] =	vst v63  }
0x6c: {  	_ =	swait.ge [sflag:s7], $0x10000  }
0x6d: {  	[sflag:s7] =	ssyncset.done $0x0  }
0x6e: {  	[sflag:s7] =	ssyncadd.s32 $0xFFFF0000  }
0x6f: {  	[hbm4b:s8+s2] =	stream.linear.scatter [tilespmem:s6], [sflag:$0x2], $0x10000, $0x38;
	[tilespmem:$0x10200] =	vst v63  }
0x70: {  	_ =	swait.ge [sflag:s3], $0x10000  }
0x71: {  	[sflag:s3] =	ssyncset.done $0x0  }
0x72: {  	[sflag:s3] =	ssyncadd.s32 $0xFFFF0000  }
0x73: {  	[tilespmem:s2], [sflag:$0x2] =	stream.linear.gather [hbm4b:s9+s2], $0x200, $0x38;
	[tilespmem:$0x10200] =	vst v63  }
0x74: {  	_ =	swait.ge [sflag:s3], $0x200  }
0x75: {  	[sflag:s3] =	ssyncset.done $0x0  }
0x76: {  	[sflag:s3] =	ssyncadd.s32 $0xFFFFFE00  }
0x77: {  	[tilespmem:s6], [sflag:$0x1] =	stream.indirect.gather [hbm4b:s5+s6], $0x80, s2, s6, $0xb8;
	[tilespmem:$0x10200] =	vst v63  }
0x78: {  	_ =	swait.ge [sflag:s7], $0x10000  }
0x79: {  	[sflag:s7] =	ssyncset.done $0x0  }
0x7a: {  	[sflag:s7] =	ssyncadd.s32 $0xFFFF0000  }
0x7b: {  	[hbm4b:s10+s2] =	stream.linear.scatter [tilespmem:s6], [sflag:$0x2], $0x10000, $0x38;
	[tilespmem:$0x10200] =	vst v63  }
0x7c: {  	_ =	swait.ge [sflag:s3], $0x10000  }
0x7d: {  	[sflag:s3] =	ssyncset.done $0x0  }
0x7e: {  	[sflag:s3] =	ssyncadd.s32 $0xFFFF0000  }
0x7f: {  	[tilespmem:s2], [sflag:$0x2] =	stream.linear.gather [hbm4b:s11+s2], $0x200, $0x38;
	[tilespmem:$0x10200] =	vst v63  }
0x80: {  	_ =	swait.ge [sflag:s3], $0x200  }
0x81: {  	[sflag:s3] =	ssyncset.done $0x0  }
0x82: {  	[sflag:s3] =	ssyncadd.s32 $0xFFFFFE00  }
0x83: {  	[tilespmem:s6], [sflag:$0x1] =	stream.indirect.gather [hbm4b:s5+s6], $0x80, s2, s6, $0xb8;
	[tilespmem:$0x10200] =	vst v63  }
0x84: {  	_ =	swait.ge [sflag:s7], $0x10000  }
0x85: {  	[sflag:s7] =	ssyncset.done $0x0  }
0x86: {  	[sflag:s7] =	ssyncadd.s32 $0xFFFF0000  }
0x87: {  	[hbm4b:s12+s2] =	stream.linear.scatter [tilespmem:s6], [sflag:$0x2], $0x10000, $0x38;
	[tilespmem:$0x10200] =	vst v63  }
0x88: {  	_ =	swait.ge [sflag:s3], $0x10000  }
0x89: {  	[sflag:s3] =	ssyncset.done $0x0  }
0x8a: {  	[sflag:s3] =	ssyncadd.s32 $0xFFFF0000  }
0x8b: {  	[tilespmem:s2], [sflag:$0x2] =	stream.linear.gather [hbm4b:s13+s2], $0x200, $0x38;
	[tilespmem:$0x10200] =	vst v63  }
0x8c: {  	_ =	swait.ge [sflag:s3], $0x200  }
0x8d: {  	[sflag:s3] =	ssyncset.done $0x0  }
0x8e: {  	[sflag:s3] =	ssyncadd.s32 $0xFFFFFE00  }
0x8f: {  	[tilespmem:s6], [sflag:$0x1] =	stream.indirect.gather [hbm4b:s5+s6], $0x80, s2, s6, $0xb8;
	[tilespmem:$0x10200] =	vst v63  }
0x90: {  	_ =	swait.ge [sflag:s7], $0x10000  }
0x91: {  	[sflag:s7] =	ssyncset.done $0x0  }
0x92: {  	[sflag:s7] =	ssyncadd.s32 $0xFFFF0000  }
0x93: {  	[hbm4b:s14+s2] =	stream.linear.scatter [tilespmem:s6], [sflag:$0x2], $0x10000, $0x38;
	[tilespmem:$0x10200] =	vst v63  }
0x94: {  	_ =	swait.ge [sflag:s3], $0x10000  }
0x95: {  	[sflag:s3] =	ssyncset.done $0x0  }
0x96: {  	[sflag:s3] =	ssyncadd.s32 $0xFFFF0000  }
0x97: {  	[tilespmem:s2], [sflag:$0x2] =	stream.linear.gather [hbm4b:s15+s2], $0x200, $0x38;
	[tilespmem:$0x10200] =	vst v63  }
0x98: {  	_ =	swait.ge [sflag:s3], $0x200  }
0x99: {  	[sflag:s3] =	ssyncset.done $0x0  }
0x9a: {  	[sflag:s3] =	ssyncadd.s32 $0xFFFFFE00  }
0x9b: {  	[tilespmem:s6], [sflag:$0x1] =	stream.indirect.gather [hbm4b:s5+s6], $0x80, s2, s6, $0xb8;
	[tilespmem:$0x10200] =	vst v63  }
0x9c: {  	_ =	swait.ge [sflag:s7], $0x10000  }
0x9d: {  	[sflag:s7] =	ssyncset.done $0x0  }
0x9e: {  	[sflag:s7] =	ssyncadd.s32 $0xFFFF0000  }
0x9f: {  	[hbm4b:s16+s2] =	stream.linear.scatter [tilespmem:s6], [sflag:$0x2], $0x10000, $0x38;
	[tilespmem:$0x10200] =	vst v63  }
0xa0: {  	_ =	swait.ge [sflag:s3], $0x10000  }
0xa1: {  	[sflag:s3] =	ssyncset.done $0x0  }
0xa2: {  	[sflag:s3] =	ssyncadd.s32 $0xFFFF0000  }
0xa3: {  	[tilespmem:s2], [sflag:$0x2] =	stream.linear.gather [hbm4b:s17+s2], $0x200, $0x38;
	[tilespmem:$0x10200] =	vst v63  }
0xa4: {  	_ =	swait.ge [sflag:s3], $0x200  }
0xa5: {  	[sflag:s3] =	ssyncset.done $0x0  }
0xa6: {  	[sflag:s3] =	ssyncadd.s32 $0xFFFFFE00  }
0xa7: {  	[tilespmem:s6], [sflag:$0x1] =	stream.indirect.gather [hbm4b:s5+s6], $0x80, s2, s6, $0xb8;
	[tilespmem:$0x10200] =	vst v63  }
0xa8: {  	_ =	swait.ge [sflag:s7], $0x10000  }
0xa9: {  	[sflag:s7] =	ssyncset.done $0x0  }
0xaa: {  	[sflag:s7] =	ssyncadd.s32 $0xFFFF0000  }
0xab: {  	[hbm4b:s18+s2] =	stream.linear.scatter [tilespmem:s6], [sflag:$0x2], $0x10000, $0x38;
	[tilespmem:$0x10200] =	vst v63  }
0xac: {  	_ =	swait.ge [sflag:s3], $0x10000  }
0xad: {  	[sflag:s3] =	ssyncset.done $0x0  }
0xae: {  	[sflag:s3] =	ssyncadd.s32 $0xFFFF0000  }
0xaf: {  	[tilespmem:s2], [sflag:$0x2] =	stream.linear.gather [hbm4b:s19+s2], $0x200, $0x38;
	[tilespmem:$0x10200] =	vst v63  }
0xb0: {  	_ =	swait.ge [sflag:s3], $0x200  }
0xb1: {  	[sflag:s3] =	ssyncset.done $0x0  }
0xb2: {  	[sflag:s3] =	ssyncadd.s32 $0xFFFFFE00  }
0xb3: {  	[tilespmem:s6], [sflag:$0x1] =	stream.indirect.gather [hbm4b:s5+s6], $0x80, s2, s6, $0xb8;
	[tilespmem:$0x10200] =	vst v63  }
0xb4: {  	_ =	swait.ge [sflag:s7], $0x10000  }
0xb5: {  	[sflag:s7] =	ssyncset.done $0x0  }
0xb6: {  	[sflag:s7] =	ssyncadd.s32 $0xFFFF0000  }
0xb7: {  	[hbm4b:s20+s2] =	stream.linear.scatter [tilespmem:s6], [sflag:$0x2], $0x10000, $0x38;
	[tilespmem:$0x10200] =	vst v63  }
0xb8: {  	_ =	swait.ge [sflag:s3], $0x10000  }
0xb9: {  	[sflag:s3] =	ssyncset.done $0x0  }
0xba: {  	[sflag:s3] =	ssyncadd.s32 $0xFFFF0000  }
0xbb: {  	[tilespmem:s2], [sflag:$0x2] =	stream.linear.gather [hbm4b:s21+s2], $0x200, $0x38;
	[tilespmem:$0x10200] =	vst v63  }
0xbc: {  	_ =	swait.ge [sflag:s3], $0x200  }
0xbd: {  	[sflag:s3] =	ssyncset.done $0x0  }
0xbe: {  	[sflag:s3] =	ssyncadd.s32 $0xFFFFFE00  }
0xbf: {  	[tilespmem:s6], [sflag:$0x1] =	stream.indirect.gather [hbm4b:s5+s6], $0x80, s2, s6, $0xb8;
	[tilespmem:$0x10200] =	vst v63  }
0xc0: {  	_ =	swait.ge [sflag:s7], $0x10000  }
.Ltmp1:
0xc1: {  	[sflag:s7] =	ssyncset.done $0x0;
	(pc) =	sbr.rel @p0 .LBB2_1-.Ltmp1, $4  }
0xc2: {  	[sflag:s7] =	ssyncadd.s32 $0xFFFF0000  }
0xc3: {  	[hbm4b:s22+s2] =	stream.linear.scatter [tilespmem:s6], [sflag:$0x2], $0x10000, $0x38;
	[tilespmem:$0x10200] =	vst v63  }
0xc4: {  	_ =	swait.ge [sflag:s3], $0x10000  }
0xc5: {  	[sflag:s3] =	ssyncset.done $0x0  }
.LBB2_2:
0xc6: {  	[sflag:s3] =	ssyncadd.s32 $0xFFFF0000  }
0xc7: {  	_ =	sfence.sel $0x180000  }
0xc8: {  	[bflag:$0x0] =	sbarrier.arrive $0xFFFF  }
0xc9: {  	p0 =	sne.s32 s0, $0x0;
	_ =	strace $0x9000004A  }
0xca: {  	s0 =	sadd.s32 @!p0 $0x100000, s1;
	[bflag:$0x2] =	sbarrier.arrive $0xFFFF  }
0xcb: {  	[sflag:s0] =	ssyncadd.tile.s32 @!p0 $0x1;
	_ =	shalt  }
.Lfunc_end2:
_tile_overlayer_lowered:
.L_overlay_start_2:
0xcc: {  	(tag) =	ssettag $0x2  }
0xcd: {  	s0 =	rddreg [dreg:$0x0];
	s2 =	stileid.u32  }
0xce: {  	s1 =	rddreg [dreg:$0x1];
	p0 =	sne.s32 s2, $0x0  }
0xcf: {  	s3 =	rddreg [dreg:$0x2];
	[bflag:$0x3] =	sbarrier.arrive $0xFFFF;
	s2 =	simm.s32 @!p0 $0x1C02  }
0xd0: {  	[timem:s3], [sflag:s2] =	dma.local @!p0 [hbm:s0], s1  }
0xd1: {  	s0 =	simm.s32 @!p0 $0x2  }
0xd2: {  	_ =	swait.ge @!p0 [sflag:s0], s1  }
0xd3: {  	s1 =	ssub.s32 @!p0 $0x0, s1;
	[sflag:s0] =	ssyncset.done @!p0 $0x0  }
0xd4: {  	[sflag:s0] =	ssyncadd.s32 @!p0 s1  }
0xd5: {  	[bflag:$0x3] =	sbarrier.arrive $0xFFFF  }
0xd6: {  	_ =	shalt  }

</sc_bundles>
